<compile_context>
chip_gen: v7x
topology: tpu7x:2x2x1
jax: 0.10.2.dev20260603
libtpu: 0.0.44.dev20260713+nightly
codegen_flags: <defaults>
</compile_context>

<pallas_src>
import functools

import jax
import jax.numpy as jnp
from jax import lax
from jax.experimental import pallas as pl
from jax.experimental.pallas import tpu as pltpu

NUM_GROUP = 512
GROUP_SIZE = 32
B, N, C = 8, 8192, 3


def _fps_body(xyz_ref, x_ref, center_ref, npts_ref, dist_ref):
    lanes = lax.broadcasted_iota(jnp.int32, (B, N), 1)
    dist_ref[...] = jnp.full((B, N), 1e10, jnp.float32)

    def step(g, far):
        onehot = lanes == far
        cs = []
        for ci in range(3):
            cc = jnp.sum(jnp.where(onehot, xyz_ref[ci], 0.0), axis=1, keepdims=True)
            cs.append(cc)
            center_ref[ci, pl.ds(g, 1), :] = cc.T
            fc = jnp.sum(jnp.where(onehot, x_ref[ci], 0.0), axis=1, keepdims=True)
            npts_ref[ci, pl.ds(g, 1), :] = fc.T
        d0 = xyz_ref[0] - cs[0]
        d1 = xyz_ref[1] - cs[1]
        d2 = xyz_ref[2] - cs[2]
        d = d0 * d0 + d1 * d1 + d2 * d2
        nd = jnp.minimum(dist_ref[...], d)
        dist_ref[...] = nd
        m = jnp.max(nd, axis=1, keepdims=True)
        far_new = jnp.min(jnp.where(nd == m, lanes, N), axis=1, keepdims=True)
        return far_new

    lax.fori_loop(0, NUM_GROUP, step, jnp.zeros((B, 1), jnp.int32))


def _fps_pallas(x, xyz):
    xyz_t = jnp.transpose(xyz, (2, 0, 1))
    x_t = jnp.transpose(x, (2, 0, 1))
    center_t, npts_t = pl.pallas_call(
        _fps_body,
        out_shape=[jax.ShapeDtypeStruct((C, NUM_GROUP, B), jnp.float32),
                   jax.ShapeDtypeStruct((C, NUM_GROUP, B), jnp.float32)],
        scratch_shapes=[pltpu.VMEM((B, N), jnp.float32)],
    )(xyz_t, x_t)
    center = jnp.transpose(center_t, (2, 1, 0))
    npts = jnp.transpose(npts_t, (2, 1, 0))
    return center, npts


def _part1by2(v):
    v = v & jnp.uint32(0x3FF)
    v = (v | (v << 16)) & jnp.uint32(0x030000FF)
    v = (v | (v << 8)) & jnp.uint32(0x0300F00F)
    v = (v | (v << 4)) & jnp.uint32(0x030C30C3)
    v = (v | (v << 2)) & jnp.uint32(0x09249249)
    return v


def _morton_argsort(points):
    mn = points.min(axis=1, keepdims=True)
    mx = points.max(axis=1, keepdims=True)
    scaled = (points - mn) / jnp.maximum(mx - mn, 1e-9)
    q = jnp.clip(scaled * 1023, 0, 1023).astype(jnp.uint32)
    code = (_part1by2(q[..., 0]) << 2) | (_part1by2(q[..., 1]) << 1) | _part1by2(q[..., 2])
    return jnp.argsort(code, axis=1)


def kernel(x, xyz):
    b, n, c = xyz.shape
    center, new_points = _fps_pallas(x, xyz)
    dist = (jnp.sum(center * center, -1)[..., None]
            + jnp.sum(xyz * xyz, -1)[:, None, :]
            - 2.0 * jnp.einsum('bmc,bnc->bmn', center, xyz))
    _, idx = lax.top_k(-dist, GROUP_SIZE)
    idx = idx + jnp.arange(b).reshape(-1, 1, 1) * n
    idx = idx.reshape(-1)
    neighborhood = x.reshape(b * n, -1)[idx, :]
    neighborhood = neighborhood.reshape(b, NUM_GROUP, GROUP_SIZE, c)

    sorted_indices = _morton_argsort(center)
    sorted_flat = (sorted_indices + jnp.arange(b)[:, None] * NUM_GROUP).reshape(-1)
    neighborhood = neighborhood.reshape(b * NUM_GROUP, GROUP_SIZE, c)[sorted_flat]
    neighborhood = neighborhood.reshape(b, NUM_GROUP, GROUP_SIZE, c)
    ctr_s = new_points.reshape(b * NUM_GROUP, c)[sorted_flat].reshape(b, NUM_GROUP, c)
    center_out = center.reshape(b * NUM_GROUP, c)[sorted_flat].reshape(b, NUM_GROUP, c)

    out = jnp.concatenate(
        [neighborhood - ctr_s[:, :, None, :],
         jnp.broadcast_to(ctr_s[:, :, None, :], neighborhood.shape)], axis=-1)
    return out, center_out

# --- scband reference (transcript-rebuilt; emitter-appended) ---
"""Pipeline reference for scband-group-6828998001451 (READ-ONLY COPY).

The authoritative reference and input builder live on the scoring server;
editing this copy changes nothing except your own understanding.
"""

import jax, jax.numpy as jnp
import numpy as np
from jax import lax

NUM_GROUP = 512
GROUP_SIZE = 32
B, N, C = 8, 8192, 3


def setup_inputs(seed: int = 0):
    key = jax.random.key(seed)
    k1, k2 = jax.random.split(key)
    x = jax.random.normal(k1, (B, N, C), dtype=jnp.float32)
    xyz = jax.random.uniform(k2, (B, N, C), dtype=jnp.float32)
    return {"x": x, "xyz": xyz}


def index_points(points, idx):
    # points: (B, N, C), idx: (B, G) -> (B, G, C)
    return jax.vmap(lambda p, i: p[i])(points, idx)


def square_distance(src, dst):
    # src: (B, M, C), dst: (B, N, C) -> (B, M, N)
    return (jnp.sum(src * src, -1)[..., None]
            + jnp.sum(dst * dst, -1)[:, None, :]
            - 2.0 * jnp.einsum('bmc,bnc->bmn', src, dst))


def furthest_point_sample(xyz, npoint):
    b, n, _ = xyz.shape

    def step(carry, _):
        dist, farthest = carry
        centroid = xyz[jnp.arange(b), farthest]  # (b, 3)
        d = jnp.sum((xyz - centroid[:, None, :]) ** 2, -1)
        dist = jnp.minimum(dist, d)
        new_far = jnp.argmax(dist, axis=-1).astype(jnp.int32)
        return (dist, new_far), farthest

    init = (jnp.full((b, n), 1e10, dtype=xyz.dtype), jnp.zeros((b,), dtype=jnp.int32))
    _, idxs = lax.scan(step, init, None, length=npoint)
    return jnp.transpose(idxs)  # (b, npoint)


def knn_point(k, xyz, center):
    # squared distances give the same ordering as torch.cdist
    dist = square_distance(center, xyz)  # (B, G, N)
    _, idx = lax.top_k(-dist, k)
    return idx  # (B, G, k)


def _part1by2(v):
    v = v & jnp.uint32(0x3FF)
    v = (v | (v << 16)) & jnp.uint32(0x030000FF)
    v = (v | (v << 8)) & jnp.uint32(0x0300F00F)
    v = (v | (v << 4)) & jnp.uint32(0x030C30C3)
    v = (v | (v << 2)) & jnp.uint32(0x09249249)
    return v


def points_to_morton(points, bits=10):
    # quantize each batch's points to a [0, 2^bits-1]^3 grid, interleave bits,
    # and return the per-batch argsort of the morton codes (sorted indices).
    mn = points.min(axis=1, keepdims=True)
    mx = points.max(axis=1, keepdims=True)
    scaled = (points - mn) / jnp.maximum(mx - mn, 1e-9)
    q = jnp.clip(scaled * (2 ** bits - 1), 0, 2 ** bits - 1).astype(jnp.uint32)
    code = (_part1by2(q[..., 0]) << 2) | (_part1by2(q[..., 1]) << 1) | _part1by2(q[..., 2])
    return jnp.argsort(code, axis=1)


def _group_forward(x, xyz):
    b, n, _ = xyz.shape
    fps_idx = furthest_point_sample(xyz, NUM_GROUP)          # (b, G)
    center = index_points(xyz, fps_idx)                      # (b, G, 3)
    new_points = index_points(x, fps_idx)                    # (b, G, C)
    idx = knn_point(GROUP_SIZE, xyz, center)                 # (b, G, K)
    idx = idx + jnp.arange(b).reshape(-1, 1, 1) * n
    idx = idx.reshape(-1)
    neighborhood = x.reshape(b * n, -1)[idx, :]
    neighborhood = neighborhood.reshape(b, NUM_GROUP, GROUP_SIZE, -1)
    neighborhood = neighborhood - new_points[:, :, None, :]
    rep = jnp.broadcast_to(new_points[:, :, None, :], (b, NUM_GROUP, GROUP_SIZE, new_points.shape[-1]))
    neighborhood = jnp.concatenate([neighborhood, rep], axis=-1)
    # morton sorting of the group centers (the cdist w/ inf diagonal in the
    # original _morton_sorting is dead code and does not affect outputs)
    sorted_indices = points_to_morton(center)                # (b, G)
    sorted_indices = (sorted_indices + jnp.arange(b)[:, None] * NUM_GROUP).reshape(-1)
    neighborhood = neighborhood.reshape(b * NUM_GROUP, GROUP_SIZE, -1)[sorted_indices, :, :]
    neighborhood = neighborhood.reshape(b, NUM_GROUP, GROUP_SIZE, -1)
    center = center.reshape(b * NUM_GROUP, -1)[sorted_indices, :]
    center = center.reshape(b, NUM_GROUP, -1)
    return neighborhood, center


def reference(x, xyz):
    return _group_forward(x, xyz)

if __name__ == "__main__":
    import jax
    _d = setup_inputs()
    print(jax.jit(kernel)(*tuple(_d.values())))

</pallas_src>

<mosaic_0001>
module attributes {stable_mosaic.version = 14 : i64} {
  func.func @_fps_body(%arg0: memref<3x8x8192xf32, #tpu.memory_space<vmem>>, %arg1: memref<3x8x8192xf32, #tpu.memory_space<vmem>>, %arg2: memref<3x512x8xf32, #tpu.memory_space<vmem>>, %arg3: memref<3x512x8xf32, #tpu.memory_space<vmem>>, %arg4: memref<8x8192xf32, #tpu.memory_space<vmem>>) attributes {dimension_semantics = [], scalar_prefetch = 0 : i64, scratch_operands = 1 : i64, tpu.core_type = #tpu.core_type<tc>} {
    %iota3A = tpu.iota {dimensions = array<i32: 1>} : vector<8x8192xi32>
    %broadcast_in_dim3A = arith.constant 1.000000e+10 : f32
    %broadcast_in_dim3A_0 = vector.broadcast %broadcast_in_dim3A : f32 to vector<8x8192xf32>
    %swap3A = arith.constant 0 : index
    %swap3A_1 = arith.constant 0 : index
    %swap3A_2 = vector.load %arg4[%swap3A, %swap3A_1] : memref<8x8192xf32, #tpu.memory_space<vmem>>, vector<8x8192xf32>
    tpu.vector_store %arg4[%swap3A, %swap3A_1], %broadcast_in_dim3A_0 {strides = array<i32>} : memref<8x8192xf32, #tpu.memory_space<vmem>>, vector<8x8192xf32>,
    %broadcast_in_dim3A_3 = arith.constant 0 : i32
    %broadcast_in_dim3A_4 = vector.broadcast %broadcast_in_dim3A_3 : i32 to vector<8x1xi32>
    %scan3A = arith.constant 0 : i32
    %scan3A_5 = arith.constant 512 : i32
    %scan3A_6 = arith.addi %scan3A, %scan3A_5 : i32
    %scan3A_7 = arith.constant 1 : i32
    %scan3A_8 = scf.for %scan3A_10 = %scan3A to %scan3A_6 step %scan3A_7 iter_args(%scan3A_11 = %broadcast_in_dim3A_4) -> (vector<8x1xi32>)  : i32 {
      %eq3A = vector.broadcast %scan3A_11 : vector<8x1xi32> to vector<8x8192xi32>
      %eq3A_12 = arith.cmpi eq, %iota3A, %eq3A : vector<8x8192xi32>
      %get3A = arith.constant 0 : index
      %get3A_13 = arith.constant 0 : index
      %get3A_14 = arith.constant 0 : index
      %get3A_15 = vector.load %arg0[%get3A, %get3A_13, %get3A_14] : memref<3x8x8192xf32, #tpu.memory_space<vmem>>, vector<1x8x8192xf32>
      %get3A_16 = vector.shape_cast %get3A_15 : vector<1x8x8192xf32> to vector<8x8192xf32>
      %jit3A = arith.constant 0.000000e+00 : f32
      %broadcast_in_dim3A_17 = vector.broadcast %jit3A : f32 to vector<8x8192xf32>
      %select_n3A = arith.select %eq3A_12, %get3A_16, %broadcast_in_dim3A_17 : vector<8x8192xi1>, vector<8x8192xf32>
      %reduce_sum3A = arith.constant dense<0.000000e+00> : vector<8xf32>
      %reduce_sum3A_18 = vector.multi_reduction <add>, %select_n3A, %reduce_sum3A [1] : vector<8x8192xf32> to vector<8xf32>
      %broadcast_in_dim3A_19 = vector.shape_cast %reduce_sum3A_18 : vector<8xf32> to vector<8x1xf32>
      %transpose3A = tpu.transpose %broadcast_in_dim3A_19, [1, 0] : vector<8x1xf32> -> vector<1x8xf32>
      %swap3A_20 = arith.constant 0 : index
      %swap3A_21 = arith.index_cast %scan3A_10 : i32 to index
      %swap3A_22 = arith.constant 0 : index
      %swap3A_23 = vector.load %arg2[%swap3A_20, %swap3A_21, %swap3A_22] : memref<3x512x8xf32, #tpu.memory_space<vmem>>, vector<1x1x8xf32>
      %swap3A_24 = vector.shape_cast %swap3A_23 : vector<1x1x8xf32> to vector<1x8xf32>
      %swap3A_25 = vector.shape_cast %transpose3A : vector<1x8xf32> to vector<1x1x8xf32>
      tpu.vector_store %arg2[%swap3A_20, %swap3A_21, %swap3A_22], %swap3A_25 {strides = array<i32>} : memref<3x512x8xf32, #tpu.memory_space<vmem>>, vector<1x1x8xf32>,
      %get3A_26 = arith.constant 0 : index
      %get3A_27 = arith.constant 0 : index
      %get3A_28 = arith.constant 0 : index
      %get3A_29 = vector.load %arg1[%get3A_26, %get3A_27, %get3A_28] : memref<3x8x8192xf32, #tpu.memory_space<vmem>>, vector<1x8x8192xf32>
      %get3A_30 = vector.shape_cast %get3A_29 : vector<1x8x8192xf32> to vector<8x8192xf32>
      %jit3A_31 = arith.constant 0.000000e+00 : f32
      %broadcast_in_dim3A_32 = vector.broadcast %jit3A_31 : f32 to vector<8x8192xf32>
      %select_n3A_33 = arith.select %eq3A_12, %get3A_30, %broadcast_in_dim3A_32 : vector<8x8192xi1>, vector<8x8192xf32>
      %reduce_sum3A_34 = arith.constant dense<0.000000e+00> : vector<8xf32>
      %reduce_sum3A_35 = vector.multi_reduction <add>, %select_n3A_33, %reduce_sum3A_34 [1] : vector<8x8192xf32> to vector<8xf32>
      %broadcast_in_dim3A_36 = vector.shape_cast %reduce_sum3A_35 : vector<8xf32> to vector<8x1xf32>
      %transpose3A_37 = tpu.transpose %broadcast_in_dim3A_36, [1, 0] : vector<8x1xf32> -> vector<1x8xf32>
      %swap3A_38 = arith.constant 0 : index
      %swap3A_39 = arith.index_cast %scan3A_10 : i32 to index
      %swap3A_40 = arith.constant 0 : index
      %swap3A_41 = vector.load %arg3[%swap3A_38, %swap3A_39, %swap3A_40] : memref<3x512x8xf32, #tpu.memory_space<vmem>>, vector<1x1x8xf32>
      %swap3A_42 = vector.shape_cast %swap3A_41 : vector<1x1x8xf32> to vector<1x8xf32>
      %swap3A_43 = vector.shape_cast %transpose3A_37 : vector<1x8xf32> to vector<1x1x8xf32>
      tpu.vector_store %arg3[%swap3A_38, %swap3A_39, %swap3A_40], %swap3A_43 {strides = array<i32>} : memref<3x512x8xf32, #tpu.memory_space<vmem>>, vector<1x1x8xf32>,
      %get3A_44 = arith.constant 1 : index
      %get3A_45 = arith.constant 0 : index
      %get3A_46 = arith.constant 0 : index
      %get3A_47 = vector.load %arg0[%get3A_44, %get3A_45, %get3A_46] : memref<3x8x8192xf32, #tpu.memory_space<vmem>>, vector<1x8x8192xf32>
      %get3A_48 = vector.shape_cast %get3A_47 : vector<1x8x8192xf32> to vector<8x8192xf32>
      %jit3A_49 = arith.constant 0.000000e+00 : f32
      %broadcast_in_dim3A_50 = vector.broadcast %jit3A_49 : f32 to vector<8x8192xf32>
      %select_n3A_51 = arith.select %eq3A_12, %get3A_48, %broadcast_in_dim3A_50 : vector<8x8192xi1>, vector<8x8192xf32>
      %reduce_sum3A_52 = arith.constant dense<0.000000e+00> : vector<8xf32>
      %reduce_sum3A_53 = vector.multi_reduction <add>, %select_n3A_51, %reduce_sum3A_52 [1] : vector<8x8192xf32> to vector<8xf32>
      %broadcast_in_dim3A_54 = vector.shape_cast %reduce_sum3A_53 : vector<8xf32> to vector<8x1xf32>
      %transpose3A_55 = tpu.transpose %broadcast_in_dim3A_54, [1, 0] : vector<8x1xf32> -> vector<1x8xf32>
      %swap3A_56 = arith.constant 1 : index
      %swap3A_57 = arith.index_cast %scan3A_10 : i32 to index
      %swap3A_58 = arith.constant 0 : index
      %swap3A_59 = vector.load %arg2[%swap3A_56, %swap3A_57, %swap3A_58] : memref<3x512x8xf32, #tpu.memory_space<vmem>>, vector<1x1x8xf32>
      %swap3A_60 = vector.shape_cast %swap3A_59 : vector<1x1x8xf32> to vector<1x8xf32>
      %swap3A_61 = vector.shape_cast %transpose3A_55 : vector<1x8xf32> to vector<1x1x8xf32>
      tpu.vector_store %arg2[%swap3A_56, %swap3A_57, %swap3A_58], %swap3A_61 {strides = array<i32>} : memref<3x512x8xf32, #tpu.memory_space<vmem>>, vector<1x1x8xf32>,
      %get3A_62 = arith.constant 1 : index
      %get3A_63 = arith.constant 0 : index
      %get3A_64 = arith.constant 0 : index
      %get3A_65 = vector.load %arg1[%get3A_62, %get3A_63, %get3A_64] : memref<3x8x8192xf32, #tpu.memory_space<vmem>>, vector<1x8x8192xf32>
      %get3A_66 = vector.shape_cast %get3A_65 : vector<1x8x8192xf32> to vector<8x8192xf32>
      %jit3A_67 = arith.constant 0.000000e+00 : f32
      %broadcast_in_dim3A_68 = vector.broadcast %jit3A_67 : f32 to vector<8x8192xf32>
      %select_n3A_69 = arith.select %eq3A_12, %get3A_66, %broadcast_in_dim3A_68 : vector<8x8192xi1>, vector<8x8192xf32>
      %reduce_sum3A_70 = arith.constant dense<0.000000e+00> : vector<8xf32>
      %reduce_sum3A_71 = vector.multi_reduction <add>, %select_n3A_69, %reduce_sum3A_70 [1] : vector<8x8192xf32> to vector<8xf32>
      %broadcast_in_dim3A_72 = vector.shape_cast %reduce_sum3A_71 : vector<8xf32> to vector<8x1xf32>
      %transpose3A_73 = tpu.transpose %broadcast_in_dim3A_72, [1, 0] : vector<8x1xf32> -> vector<1x8xf32>
      %swap3A_74 = arith.constant 1 : index
      %swap3A_75 = arith.index_cast %scan3A_10 : i32 to index
      %swap3A_76 = arith.constant 0 : index
      %swap3A_77 = vector.load %arg3[%swap3A_74, %swap3A_75, %swap3A_76] : memref<3x512x8xf32, #tpu.memory_space<vmem>>, vector<1x1x8xf32>
      %swap3A_78 = vector.shape_cast %swap3A_77 : vector<1x1x8xf32> to vector<1x8xf32>
      %swap3A_79 = vector.shape_cast %transpose3A_73 : vector<1x8xf32> to vector<1x1x8xf32>
      tpu.vector_store %arg3[%swap3A_74, %swap3A_75, %swap3A_76], %swap3A_79 {strides = array<i32>} : memref<3x512x8xf32, #tpu.memory_space<vmem>>, vector<1x1x8xf32>,
      %get3A_80 = arith.constant 2 : index
      %get3A_81 = arith.constant 0 : index
      %get3A_82 = arith.constant 0 : index
      %get3A_83 = vector.load %arg0[%get3A_80, %get3A_81, %get3A_82] : memref<3x8x8192xf32, #tpu.memory_space<vmem>>, vector<1x8x8192xf32>
      %get3A_84 = vector.shape_cast %get3A_83 : vector<1x8x8192xf32> to vector<8x8192xf32>
      %jit3A_85 = arith.constant 0.000000e+00 : f32
      %broadcast_in_dim3A_86 = vector.broadcast %jit3A_85 : f32 to vector<8x8192xf32>
      %select_n3A_87 = arith.select %eq3A_12, %get3A_84, %broadcast_in_dim3A_86 : vector<8x8192xi1>, vector<8x8192xf32>
      %reduce_sum3A_88 = arith.constant dense<0.000000e+00> : vector<8xf32>
      %reduce_sum3A_89 = vector.multi_reduction <add>, %select_n3A_87, %reduce_sum3A_88 [1] : vector<8x8192xf32> to vector<8xf32>
      %broadcast_in_dim3A_90 = vector.shape_cast %reduce_sum3A_89 : vector<8xf32> to vector<8x1xf32>
      %transpose3A_91 = tpu.transpose %broadcast_in_dim3A_90, [1, 0] : vector<8x1xf32> -> vector<1x8xf32>
      %swap3A_92 = arith.constant 2 : index
      %swap3A_93 = arith.index_cast %scan3A_10 : i32 to index
      %swap3A_94 = arith.constant 0 : index
      %swap3A_95 = vector.load %arg2[%swap3A_92, %swap3A_93, %swap3A_94] : memref<3x512x8xf32, #tpu.memory_space<vmem>>, vector<1x1x8xf32>
      %swap3A_96 = vector.shape_cast %swap3A_95 : vector<1x1x8xf32> to vector<1x8xf32>
      %swap3A_97 = vector.shape_cast %transpose3A_91 : vector<1x8xf32> to vector<1x1x8xf32>
      tpu.vector_store %arg2[%swap3A_92, %swap3A_93, %swap3A_94], %swap3A_97 {strides = array<i32>} : memref<3x512x8xf32, #tpu.memory_space<vmem>>, vector<1x1x8xf32>,
      %get3A_98 = arith.constant 2 : index
      %get3A_99 = arith.constant 0 : index
      %get3A_100 = arith.constant 0 : index
      %get3A_101 = vector.load %arg1[%get3A_98, %get3A_99, %get3A_100] : memref<3x8x8192xf32, #tpu.memory_space<vmem>>, vector<1x8x8192xf32>
      %get3A_102 = vector.shape_cast %get3A_101 : vector<1x8x8192xf32> to vector<8x8192xf32>
      %jit3A_103 = arith.constant 0.000000e+00 : f32
      %broadcast_in_dim3A_104 = vector.broadcast %jit3A_103 : f32 to vector<8x8192xf32>
      %select_n3A_105 = arith.select %eq3A_12, %get3A_102, %broadcast_in_dim3A_104 : vector<8x8192xi1>, vector<8x8192xf32>
      %reduce_sum3A_106 = arith.constant dense<0.000000e+00> : vector<8xf32>
      %reduce_sum3A_107 = vector.multi_reduction <add>, %select_n3A_105, %reduce_sum3A_106 [1] : vector<8x8192xf32> to vector<8xf32>
      %broadcast_in_dim3A_108 = vector.shape_cast %reduce_sum3A_107 : vector<8xf32> to vector<8x1xf32>
      %transpose3A_109 = tpu.transpose %broadcast_in_dim3A_108, [1, 0] : vector<8x1xf32> -> vector<1x8xf32>
      %swap3A_110 = arith.constant 2 : index
      %swap3A_111 = arith.index_cast %scan3A_10 : i32 to index
      %swap3A_112 = arith.constant 0 : index
      %swap3A_113 = vector.load %arg3[%swap3A_110, %swap3A_111, %swap3A_112] : memref<3x512x8xf32, #tpu.memory_space<vmem>>, vector<1x1x8xf32>
      %swap3A_114 = vector.shape_cast %swap3A_113 : vector<1x1x8xf32> to vector<1x8xf32>
      %swap3A_115 = vector.shape_cast %transpose3A_109 : vector<1x8xf32> to vector<1x1x8xf32>
      tpu.vector_store %arg3[%swap3A_110, %swap3A_111, %swap3A_112], %swap3A_115 {strides = array<i32>} : memref<3x512x8xf32, #tpu.memory_space<vmem>>, vector<1x1x8xf32>,
      %get3A_116 = arith.constant 0 : index
      %get3A_117 = arith.constant 0 : index
      %get3A_118 = arith.constant 0 : index
      %get3A_119 = vector.load %arg0[%get3A_116, %get3A_117, %get3A_118] : memref<3x8x8192xf32, #tpu.memory_space<vmem>>, vector<1x8x8192xf32>
      %get3A_120 = vector.shape_cast %get3A_119 : vector<1x8x8192xf32> to vector<8x8192xf32>
      %sub3A = vector.broadcast %broadcast_in_dim3A_19 : vector<8x1xf32> to vector<8x8192xf32>
      %sub3A_121 = arith.subf %get3A_120, %sub3A : vector<8x8192xf32>
      %get3A_122 = arith.constant 1 : index
      %get3A_123 = arith.constant 0 : index
      %get3A_124 = arith.constant 0 : index
      %get3A_125 = vector.load %arg0[%get3A_122, %get3A_123, %get3A_124] : memref<3x8x8192xf32, #tpu.memory_space<vmem>>, vector<1x8x8192xf32>
      %get3A_126 = vector.shape_cast %get3A_125 : vector<1x8x8192xf32> to vector<8x8192xf32>
      %sub3A_127 = vector.broadcast %broadcast_in_dim3A_54 : vector<8x1xf32> to vector<8x8192xf32>
      %sub3A_128 = arith.subf %get3A_126, %sub3A_127 : vector<8x8192xf32>
      %get3A_129 = arith.constant 2 : index
      %get3A_130 = arith.constant 0 : index
      %get3A_131 = arith.constant 0 : index
      %get3A_132 = vector.load %arg0[%get3A_129, %get3A_130, %get3A_131] : memref<3x8x8192xf32, #tpu.memory_space<vmem>>, vector<1x8x8192xf32>
      %get3A_133 = vector.shape_cast %get3A_132 : vector<1x8x8192xf32> to vector<8x8192xf32>
      %sub3A_134 = vector.broadcast %broadcast_in_dim3A_90 : vector<8x1xf32> to vector<8x8192xf32>
      %sub3A_135 = arith.subf %get3A_133, %sub3A_134 : vector<8x8192xf32>
      %mul3A = arith.mulf %sub3A_121, %sub3A_121 : vector<8x8192xf32>
      %mul3A_136 = arith.mulf %sub3A_128, %sub3A_128 : vector<8x8192xf32>
      %add3A = arith.addf %mul3A, %mul3A_136 : vector<8x8192xf32>
      %mul3A_137 = arith.mulf %sub3A_135, %sub3A_135 : vector<8x8192xf32>
      %add3A_138 = arith.addf %add3A, %mul3A_137 : vector<8x8192xf32>
      %get3A_139 = arith.constant 0 : index
      %get3A_140 = arith.constant 0 : index
      %get3A_141 = vector.load %arg4[%get3A_139, %get3A_140] : memref<8x8192xf32, #tpu.memory_space<vmem>>, vector<8x8192xf32>
      %min3A = arith.minimumf %get3A_141, %add3A_138 : vector<8x8192xf32>
      %swap3A_142 = arith.constant 0 : index
      %swap3A_143 = arith.constant 0 : index
      %swap3A_144 = vector.load %arg4[%swap3A_142, %swap3A_143] : memref<8x8192xf32, #tpu.memory_space<vmem>>, vector<8x8192xf32>
      tpu.vector_store %arg4[%swap3A_142, %swap3A_143], %min3A {strides = array<i32>} : memref<8x8192xf32, #tpu.memory_space<vmem>>, vector<8x8192xf32>,
      %reduce_max3A = arith.constant dense<0xFF800000> : vector<8xf32>
      %reduce_max3A_145 = vector.multi_reduction <maximumf>, %min3A, %reduce_max3A [1] : vector<8x8192xf32> to vector<8xf32>
      %broadcast_in_dim3A_146 = vector.shape_cast %reduce_max3A_145 : vector<8xf32> to vector<8x1xf32>
      %eq3A_147 = vector.broadcast %broadcast_in_dim3A_146 : vector<8x1xf32> to vector<8x8192xf32>
      %eq3A_148 = arith.cmpf oeq, %min3A, %eq3A_147 : vector<8x8192xf32>
      %jit3A_149 = arith.constant 8192 : i32
      %broadcast_in_dim3A_150 = vector.broadcast %jit3A_149 : i32 to vector<8x8192xi32>
      %select_n3A_151 = arith.select %eq3A_148, %iota3A, %broadcast_in_dim3A_150 : vector<8x8192xi1>, vector<8x8192xi32>
      %reduce_min3A = arith.constant dense<2147483647> : vector<8xi32>
      %reduce_min3A_152 = vector.multi_reduction <minsi>, %select_n3A_151, %reduce_min3A [1] : vector<8x8192xi32> to vector<8xi32>
      %broadcast_in_dim3A_153 = vector.shape_cast %reduce_min3A_152 : vector<8xi32> to vector<8x1xi32>
      scf.yield %broadcast_in_dim3A_153 : vector<8x1xi32>
    }
    %scan3A_9 = arith.constant 512 : i32
    return
  }
}

</mosaic_0001>

<sc_bundles>
// kernel: gather_offload_async_start.1
scs
__scs_entry_jumppad:
0x0: {  	(pc) =	sbr.rel $0x88, $3  }
0x1: {  	(tag) =	ssettag $0x0;
	lr =	simm.s32 $0x1  }
0x2: {  	[smem:$0x3F9F] =	sst lr;
	_ =	strace $0xD0000000  }
0x3: {  	_ = 	snop  }
0x4: {  	_ = 	snop  }
0x5: {  	_ = 	snop  }
0x6: {  	_ = 	snop  }
0x7: {  	_ = 	snop  }
__scs_overlays_trampoline_lowered:
0x8: {  	[smem:$0x3FAE] =	sst s0  }
0x9: {  	[smem:$0x3FAF] =	sst s1  }
0xa: {  	[smem:$0x3FB0] =	sst s2  }
0xb: {  	[smem:$0x3FB1] =	sst s3  }
0xc: {  	[smem:$0x3FB2] =	sst s4  }
0xd: {  	[smem:$0x3FB3] =	sst s5  }
0xe: {  	[smem:$0x3FB4] =	sst s6  }
0xf: {  	[smem:$0x3FB5] =	sst s7  }
0x10: {  	[smem:$0x3FB6] =	sst s8  }
0x11: {  	[smem:$0x3FB7] =	sst s9;
	s0 =	simm.s32 @!p0 $0x0  }
0x12: {  	s1 =	sld [smem:$0x3F9D];
	s0 =	simm.s32 @p0 $0x1  }
0x13: {  	[smem:$0x3FB8] =	sst s0;
	s0 =	simm.s32 @!p1 $0x0  }
0x14: {  	s2 =	sld [smem:$0x3F9C];
	s0 =	simm.s32 @p1 $0x1  }
0x15: {  	[smem:$0x3FB9] =	sst s0;
	s0 =	simm.s32 @!p2 $0x0  }
0x16: {  	s3 =	sld [smem:$0x3FDB];
	s0 =	simm.s32 @p2 $0x1  }
0x17: {  	s4 =	simm.s32 $0x1BF5;
	[smem:$0x3FBB] =	sst s0  }
0x18: {  	s0 =	sld [smem:$0x3F9E];
	_ =	swait.ge [sflag:s4], $0x0  }
0x19: {  	s7 =	sld [smem:$0x3F9F]  }
0x1a: {  	s8 =	sadd.s32 $0xFFFFE003, lr  }
0x1b: {  	s9 =	sadd.s32 $0xFFFFFEF7, lr;
	s5 =	simm.s32 $0xFFFFFFFF;
	p2 =	slt.u32 s8, $0xFFFFF086  }
0x1c: {  	p1 =	slt.u32 s9, $0xF7A;
	s5 =	simm.s32 @!p2 $0x0  }
0x1d: {  	s5 =	simm.s32 @p1 $0x1;
	p0 =	seq.s32 s7, s2  }
0x1e: {  	s7 =	smul.u32 @!p0 $0xF7A, s2;
	p2 =	seq.s32 @!p0 s5, $0x0  }
0x1f: {  	s9 =	smul.u32 $0xF7A, s1;
	s8 =	simm.s32 @!p0 $0x1BF5;
	p2 =	por !p2, p0  }
0x20: {  	[sflag:s8] =	ssyncset.s32 @!p0 $0xFFFFF086;
	s6 =	sadd.s32 @!p0 s3, s7;
	s7 =	simm.s32 @!p0 $0x108  }
0x21: {  	s3 =	sadd.s32 s3, s9;
	s6 =	sadd.s32 @!p0 $0x88, s6;
	s7 =	simm.s32 @p2 $0x1082  }
0x22: {  	[simem:s7], [sflag:s8] =	dma.local @!p0 [hbm:s6], $0xF7A  }
0x23: {  	s9 =	sor.u32 $0xD0000000, s2;
	s6 =	simm.s32 $0x108;
	_ =	swait.ge @!p0 [sflag:s8], $0x0  }
0x24: {  	s3 =	sadd.s32 $0x88, s3;
	s6 =	simm.s32 @!p1 $0x1082;
	[sflag:s4] =	ssyncset.s32 $0xFFFFF086  }
0x25: {  	[simem:s6], [sflag:s4] =	dma.local [hbm:s3], $0xF7A  }
0x26: {  	[smem:$0x3F9F] =	sst s1;
	(tag) =	ssettag s2;
	_ =	strace s9  }
0x27: {  	s1 =	sld [smem:$0x3FAF]  }
0x28: {  	s2 =	sld [smem:$0x3FB0]  }
0x29: {  	s4 =	sld [smem:$0x3FB2]  }
0x2a: {  	p0 =	seq.s32 s5, $0x0;
	s5 =	sld [smem:$0x3FB3]  }
0x2b: {  	s6 =	sld [smem:$0x3FB4]  }
0x2c: {  	s7 =	sld [smem:$0x3FB5]  }
0x2d: {  	s3 =	simm.s32 $0x108;
	s8 =	sld [smem:$0x3FB6]  }
0x2e: {  	s3 =	simm.s32 @!p0 $0x1082;
	s9 =	sld [smem:$0x3FB7]  }
0x2f: {  	lr =	sadd.s32 s0, s3;
	s0 =	sld [smem:$0x3FAE]  }
0x30: {  	s3 =	sld [smem:$0x3FB1]  }
0x31: {  	[smem:$0x3FBA] =	sst s10  }
0x32: {  	s10 =	sld [smem:$0x3FB8];
	_ =	sdelay $0x3  }
0x33: {  	p0 =	seq.s32 s10, $0x1;
	s10 =	sld [smem:$0x3FBA];
	_ =	sdelay $0x3  }
0x34: {  	[smem:$0x3FBA] =	sst s10  }
0x35: {  	s10 =	sld [smem:$0x3FB9];
	_ =	sdelay $0x3  }
0x36: {  	p1 =	seq.s32 s10, $0x1;
	s10 =	sld [smem:$0x3FBA];
	_ =	sdelay $0x3  }
0x37: {  	[smem:$0x3FBA] =	sst s10  }
0x38: {  	s10 =	sld [smem:$0x3FBB]  }
0x39: {  	_ = 	snop;
	(pc) =	sbr.ind lr, $3  }
0x3a: {  	_ = 	snop  }
0x3b: {  	_ = 	snop  }
0x3c: {  	p2 =	seq.s32 s10, $0x1;
	s10 =	sld [smem:$0x3FBA]  }
0x3d: {  	_ =	shalt  }
0x3e: {  	_ =	shalt  }
0x3f: {  	_ =	shalt  }
0x40: {  	_ =	shalt  }
0x41: {  	_ =	shalt  }
0x42: {  	_ =	shalt  }
0x43: {  	_ =	shalt  }
0x44: {  	_ =	shalt  }
0x45: {  	_ =	shalt  }
0x46: {  	_ =	shalt  }
0x47: {  	_ =	shalt  }
0x48: {  	_ =	shalt  }
0x49: {  	_ =	shalt  }
0x4a: {  	_ =	shalt  }
0x4b: {  	_ =	shalt  }
0x4c: {  	_ =	shalt  }
0x4d: {  	_ =	shalt  }
0x4e: {  	_ =	shalt  }
0x4f: {  	_ =	shalt  }
0x50: {  	_ =	shalt  }
0x51: {  	_ =	shalt  }
0x52: {  	_ =	shalt  }
0x53: {  	_ =	shalt  }
0x54: {  	_ =	shalt  }
0x55: {  	_ =	shalt  }
0x56: {  	_ =	shalt  }
0x57: {  	_ =	shalt  }
0x58: {  	_ =	shalt  }
0x59: {  	_ =	shalt  }
0x5a: {  	_ =	shalt  }
0x5b: {  	_ =	shalt  }
0x5c: {  	_ =	shalt  }
0x5d: {  	_ =	shalt  }
0x5e: {  	_ =	shalt  }
0x5f: {  	_ =	shalt  }
0x60: {  	_ =	shalt  }
0x61: {  	_ =	shalt  }
0x62: {  	_ =	shalt  }
0x63: {  	_ =	shalt  }
0x64: {  	_ =	shalt  }
0x65: {  	_ =	shalt  }
0x66: {  	_ =	shalt  }
0x67: {  	_ =	shalt  }
0x68: {  	_ =	shalt  }
0x69: {  	_ =	shalt  }
0x6a: {  	_ =	shalt  }
0x6b: {  	_ =	shalt  }
0x6c: {  	_ =	shalt  }
0x6d: {  	_ =	shalt  }
0x6e: {  	_ =	shalt  }
0x6f: {  	_ =	shalt  }
0x70: {  	_ =	shalt  }
0x71: {  	_ =	shalt  }
0x72: {  	_ =	shalt  }
0x73: {  	_ =	shalt  }
0x74: {  	_ =	shalt  }
0x75: {  	_ =	shalt  }
0x76: {  	_ =	shalt  }
0x77: {  	_ =	shalt  }
0x78: {  	_ =	shalt  }
0x79: {  	_ =	shalt  }
0x7a: {  	_ =	shalt  }
0x7b: {  	_ =	shalt  }
0x7c: {  	_ =	shalt  }
0x7d: {  	_ =	shalt  }
0x7e: {  	_ =	shalt  }
0x7f: {  	_ =	shalt  }
0x80: {  	_ =	shalt  }
0x81: {  	_ =	shalt  }
0x82: {  	_ =	shalt  }
0x83: {  	_ =	shalt  }
0x84: {  	_ =	shalt  }
0x85: {  	_ =	shalt  }
0x86: {  	_ =	shalt  }
0x87: {  	_ =	shalt  }
.Lfunc_end0:
.L_simem_size_0:
called_computation.2_lowered:
.L_overlay_start_0:
0x88: {  	s2 =	sld [smem:$0x3FD9]  }
0x89: {  	s3 =	sld [smem:$0x3FFE];
	_ =	sdelay $0x1  }
0x8a: {  	s1 =	srdreg.scid  }
0x8b: {  	s0 =	sand.u32 $0x1, s1  }
0x8c: {  	s14 =	sshll.u32 s0, $0xA;
	s2 =	sadd.s32 s3, s2  }
0x8d: {  	s2 =	sadd.s32 s2, s14  }
0x8e: {  	[smem:$0x3FC6] =	sst s2  }
0x8f: {  	_ = 	snop  }
0x90: {  	s2 =	sld [smem:$0x3FD0];
	_ =	sdelay $0x2  }
0x91: {  	s15 =	simm.s32 $0xC;
	s4 =	simm.s32 $0x10  }
0x92: {  	[smem:s4], [sflag:s15] =	dma.local [hbm:s2], $0x1  }
0x93: {  	_ =	swait.eq [sflag:s15], $0x1  }
0x94: {  	[sflag:s15] =	ssyncset.done $0x0  }
0x95: {  	[sflag:s15] =	ssyncadd.s32 $0xFFFFFFFF  }
0x96: {  	s16 =	sld [smem:$0x10];
	(tm) =	ssettm $0x1  }
0x97: {  	s17 =	sld [smem:$0x3FFB];
	_ =	sdelay $0x3  }
0x98: {  	_ =	strace s17  }
0x99: {  	s3 =	sld [smem:$0x3FFC];
	_ =	sdelay $0x3  }
0x9a: {  	_ =	strace s3  }
0x9b: {  	s3 =	sld [smem:$0x3FFD];
	_ =	sdelay $0x3  }
0x9c: {  	_ =	strace s3  }
0x9d: {  	_ =	strace $0x8FFFFFFF  }
0x9e: {  	s18 =	sld [smem:$0x3FDB];
	_ =	sdelay $0x1  }
0x9f: {  	s19 =	simm.s32 $_scs_section_size  }
0xa0: {  	s5 =	simm.s32 $_size__tile_overlayer_lowered;
	s6 =	simm.s32 $_tile_overlayer_lowered  }
0xa1: {  	s22 =	simm.s32 $0x1BFF;
	s21 =	sshll.u32 s6, $0x1;
	s3 =	sadd.s32 s19, s18  }
0xa2: {  	s7 =	simm.s32 $0x0;
	s20 =	sshll.u32 s5, $0x1;
	s5 =	sadd.s32 s21, s3  }
0xa3: {  	[timem:s7], [sflag:s22] =	dma.local [hbm:s5], s20  }
0xa4: {  	_ =	swait.ge [sflag:s22], s20  }
0xa5: {  	s4 =	ssub.s32 $0x0, s20;
	[sflag:s22] =	ssyncset.done $0x0  }
0xa6: {  	[sflag:s22] =	ssyncadd.s32 s4;
	_ =	sdelay $0x1  }
0xa7: {  	s23 =	simm.s32 $0x1B8B  }
0xa8: {  	_ =	swait.ge [sflag:s23], $0x1  }
0xa9: {  	[sflag:s23] =	ssyncset.done $0x0  }
0xaa: {  	s25 =	simm.s32 $0x1B8E;
	s24 =	sld [smem:$0x3FFE];
	[sflag:s23] =	ssyncadd.s32 $0xFFFFFFFF  }
0xab: {  	s26 =	simm.s32 $execute0_lowered;
	[smem:$0x3FD2] =	sst s25  }
0xac: {  	s5 =	sshll.u32 s26, $0x1;
	_ =	strace $0x80000046;
	[dreg:$0x1] =	wrdreg $0xFFFFFFFF  }
0xad: {  	s28 =	simm.s32 $_size_execute0_lowered;
	s3 =	sadd.s32 s3, s5;
	[dreg:$0x0] =	wrdreg $0x0  }
0xae: {  	s5 =	sshll.u32 s28, $0x1;
	[dreg:$0x2] =	wrdreg s3  }
0xaf: {  	[dreg:$0x3] =	wrdreg s5  }
0xb0: {  	[dreg:$0x4] =	wrdreg $0xC0  }
0xb1: {  	_ =	task [dreg:s7], $0x5FFFF  }
0xb2: {  	[dreg:$0x1] =	wrdreg $0xFFFFFFFF  }
0xb3: {  	[dreg:$0x0] =	wrdreg $0x60  }
0xb4: {  	[dreg:$0x2] =	wrdreg s16  }
0xb5: {  	[dreg:$0x3] =	wrdreg s24  }
0xb6: {  	[dreg:$0x4] =	wrdreg $0xA  }
0xb7: {  	_ =	task.clear_ibuf [dreg:s7], $0x5FFFF;
	_ =	strace $0x90000046  }
0xb8: {  	s29 =	simm.s32 $0xA;
	_ =	strace $0x80000048  }
0xb9: {  	_ =	swait.ge [sflag:s29], $0x1  }
0xba: {  	[sflag:s29] =	ssyncadd.s32 $0xFFFFFFFF  }
0xbb: {  	_ =	strace $0x90000048  }
0xbc: {  	_ =	sfence  }
0xbd: {  	s30 =	sld [smem:$0x0];
	_ =	sdelay $0x2  }
0xbe: {  	s31 =	sshll.u32 s1, $0xD;
	s1 =	sshrl.u32 s1, $0x2  }
0xbf: {  	s3 =	sand.u32 $0x4000, s31;
	s1 =	sadd.s32 s1, s30  }
0xc0: {  	s0 =	sor.u32 s3, s0;
	s1 =	sshll.u32 s1, $0x11  }
0xc1: {  	s0 =	sor.u32 s1, s0  }
0xc2: {  	s0 =	sadd.s32 $0x8F2B, s0  }
0xc3: {  	[sflag:s0] =	ssyncadd.remote.s32 $0x1  }
0xc4: {  	_ =	sfence.sel $0xFFFF  }
0xc5: {  	[dreg:$0x0] =	wrdreg $0xFFFFFFFF;
	(pc) =	sbr.abs _section_cstart, $3  }
0xc6: {  	[dreg:$0x1] =	wrdreg $0xFFFFFFFF  }
0xc7: {  	_ =	task.clear_ibuf [dreg:s7], $0x2FFFF;
	_ =	strace $0x9FFFFFFF  }
0xc8: {  	(tm) =	ssettm $0x7FFFFFFF  }
0xc9: {  	_ =	shalt  }
tec
execute0_lowered:
.L_overlay_start_1:
0x0: {  	(tag) =	ssettag $0x1  }
0x1: {  	s2 =	rddreg [dreg:$0x0]  }
0x2: {  	s3 =	rddreg [dreg:$0x1]  }
0x3: {  	s0 =	rddreg [dreg:$0x2];
	s1 =	srdreg.scid;
	_ =	strace $0x80000047  }
0x4: {  	s4 =	simm.s32 $0x1;
	s9 =	simm.s32 $0x3;
	s5 =	sshll.u32 s1, $0x4  }
.Ltmp0:
0x5: {  	s1 =	stileid.u32;
	s5 =	sand.u32 $0x10, s5;
	(pc) =	sbr.rel .LBB2_1-.Ltmp0, $4  }
0x6: {  	s12 =	simm.s32 $0x0;
	s10 =	simm.s32 $0x0;
	s6 =	sor.u32 s1, s5  }
0x7: {  	[sflag:s4] =	ssyncpa.u1 $0x0;
	s5 =	simm.s32 $0x2;
	s6 =	sshll.u32 s6, $0x7  }
0x8: {  	s7 =	sadd.s32 $0x200, s3;
	[sflag:s5] =	ssyncpa.u1 $0x0;
	s8 =	sadd.s32 $0x80, s6  }
0x9: {  	vm0 =	vmmov $0xff;
	vm1 =	vcmask $0x3F20;
	[sflag:s9] =	ssyncpa.u1 $0x0;
	s9 =	simm.s32 $0x80;
	s11 =	smov.u32 s6  }
.LBB2_9:
0xa: {  	p0 =	seq.s32 s10, $0x2  }
.Ltmp1:
0xb: {  	_ = 	snop;
	(pc) =	sbr.rel @p0 .LBB2_11-.Ltmp1, $1  }
0xc: {  	_ =	sdelay $0x3  }
.LBB2_10:
0xd: {  	s12 =	sadd.s32 $0x80, s11  }
0xe: {  	s13 =	smov.u32 s6;
	p0 =	slt.s32 s12, s8  }
0xf: {  	s13 =	smov.u32 @p0 s12  }
0x10: {  	s10 =	sadd.s32 $0x1, s10;
	s12 =	smov.u32 s11;
	s11 =	smov.u32 s13  }
.LBB2_1:
0x11: {  	p0 =	sne.s32 s10, $0x0  }
.Ltmp2:
0x12: {  	_ = 	snop;
	(pc) =	sbr.rel @!p0 .LBB2_2-.Ltmp2, $1  }
0x13: {  	_ =	sdelay $0x3  }
0x14: {  	s13 =	sand.u32 $0x1, s10  }
0x15: {  	p0 =	seq.s32 s13, $0x0  }
.Ltmp3:
0x16: {  	_ = 	snop;
	(pc) =	sbr.rel @p0 .LBB2_9-.Ltmp3, $1  }
0x17: {  	_ =	sdelay $0x3  }
0x18: {  	_ =	swait.ge [sflag:s5], $0x80  }
0x19: {  	[sflag:s5] =	ssyncset.done $0x0  }
0x1a: {  	s13 =	simm.s32 $0x0;
	[sflag:s5] =	ssyncadd.s32 $0xFFFFFF80  }
0x1b: {  	v0 =	vld.msk [tilespmem:s13+$0x80 ss:$0x1], $0xffff;
	_ =	sdelay $0x4  }
0x1c: {  	vm2 =	vgt.s32 v0, $0x0  }
0x1d: {  	v0 =	vnsel vm2, $0x0, v0  }
0x1e: {  	v0 =	vmin.u32 v0, $0xFFF  }
0x1f: {  	v0 =	vshll.u32 v0, $0x4;
	_ =	sdelay $0x3  }
0x20: {  	s13 =	simm.s32 $0x4100  }
0x21: {  	[tilespmem:s13], [sflag:$0x1] =	stream.indirect_vreg.gather [hbm:s2], $0x80, v0, vm0, $0x38;
	[tilespmem:$0x8100] =	vst v63  }
0x22: {  	s14 =	simm.s32 $0x4500;
	s31 =	simm.s32 $0x10  }
0x23: {  	[tilespmem:s14], [sflag:$0x1] =	stream.indirect_vreg.gather [hbm:s2], $0x80, v0, vm1, $0x38;
	[tilespmem:$0x8100] =	vst v63  }
0x24: {  	s14 =	simm.s32 $0x80;
	v0 =	vld.msk [tilespmem:s31+$0x80 ss:$0x1], $0xffff  }
.LBB2_5:
0x25: {  	p0 =	sne.s32 s14, $0x1C0;
	_ =	sdelay $0x4  }
0x26: {  	vm2 =	vgt.s32 v0, $0x0  }
0x27: {  	v0 =	vnsel vm2, $0x0, v0  }
0x28: {  	v0 =	vmin.u32 v0, $0xFFF  }
0x29: {  	v0 =	vshll.u32 v0, $0x4;
	_ =	sdelay $0x3  }
.Ltmp4:
0x2a: {  	s13 =	sadd.s32 $0x800, s13;
	(pc) =	sbr.rel @p0 .LBB2_5-.Ltmp4, $4  }
0x2b: {  	[tilespmem:s13], [sflag:$0x1] =	stream.indirect_vreg.gather [hbm:s2], $0x80, v0, vm0, $0x38;
	[tilespmem:$0x8100] =	vst v63  }
0x2c: {  	s15 =	sshra.s32 s14, $0x2;
	s16 =	sadd.s32 $0x400, s13  }
0x2d: {  	[tilespmem:s16], [sflag:$0x1] =	stream.indirect_vreg.gather [hbm:s2], $0x80, v0, vm1, $0x38;
	[tilespmem:$0x8100] =	vst v63  }
0x2e: {  	s14 =	sadd.s32 $0x40, s14;
	v0 =	vld.msk [tilespmem:s15+$0x80 ss:$0x1], $0xffff  }
0x2f: {  	_ =	sdelay $0x3  }
0x30: {  	vm2 =	vgt.s32 v0, $0x0  }
0x31: {  	v0 =	vnsel vm2, $0x0, v0  }
0x32: {  	v0 =	vmin.u32 v0, $0xFFF  }
0x33: {  	v0 =	vshll.u32 v0, $0x4;
	_ =	sdelay $0x3  }
0x34: {  	s13 =	sadd.s32 $0x800, s13  }
0x35: {  	[tilespmem:s13], [sflag:$0x1] =	stream.indirect_vreg.gather [hbm:s2], $0x80, v0, vm0, $0x38;
	[tilespmem:$0x8100] =	vst v63  }
0x36: {  	s13 =	sadd.s32 $0x400, s13  }
0x37: {  	[tilespmem:s13], [sflag:$0x1] =	stream.indirect_vreg.gather [hbm:s2], $0x80, v0, vm1, $0x38;
	[tilespmem:$0x8100] =	vst v63  }
0x38: {  	s12 =	sshll.u32 s12, $0x4;
	s14 =	simm.s32 $0x80;
	_ =	swait.ge [sflag:s4], $0x4000  }
0x39: {  	s15 =	simm.s32 $0x4500;
	s12 =	sadd.s32 s12, s7;
	[sflag:s4] =	ssyncset.done $0x0  }
0x3a: {  	s16 =	sadd.s32 $0x0, s12;
	s13 =	simm.s32 $0x4100;
	[sflag:s4] =	ssyncadd.s32 $0xFFFFC000  }
.LBB2_7:
0x3b: {  	[hbm:s16] =	stream.linear.scatter [tilespmem:s13], [sflag:$0x3], $0x400, $0x38;
	[tilespmem:$0x8100] =	vst v63  }
0x3c: {  	s16 =	smov.u32 s14;
	s13 =	smov.u32 s15;
	p0 =	sne.s32 s14, $0x780  }
.Ltmp5:
0x3d: {  	s14 =	sadd.s32 $0x80, s14;
	(pc) =	sbr.rel @p0 .LBB2_7-.Ltmp5, $2  }
0x3e: {  	_ =	sdelay $0x2  }
0x3f: {  	s15 =	sadd.s32 $0x400, s15;
	s16 =	sadd.s32 s16, s12  }
.Ltmp6:
0x40: {  	(pc) =	sbr.rel .LBB2_9-.Ltmp6, $2  }
0x41: {  	_ =	sdelay $0x2  }
0x42: {  	[hbm:s16] =	stream.linear.scatter [tilespmem:s13], [sflag:$0x3], $0x400, $0x38;
	[tilespmem:$0x8100] =	vst v63  }
.LBB2_2:
.Ltmp7:
0x43: {  	(pc) =	sbr.rel .LBB2_10-.Ltmp7, $4  }
0x44: {  	_ = 	snop  }
0x45: {  	s12 =	sshrl.u32 s11, $0x3  }
0x46: {  	s13 =	sand.u32 $0x7, s11;
	s12 =	sadd.s32 s3, s12  }
0x47: {  	[tilespmem:s9], [sflag:$0x2] =	stream.linear.gather [hbm4b:s12+s13], $0x80, $0x38;
	[tilespmem:$0x8100] =	vst v63  }
.LBB2_11:
0x48: {  	s2 =	simm.s32 $0x3  }
0x49: {  	_ =	swait.ge [sflag:s2], $0x4000  }
0x4a: {  	[sflag:s2] =	ssyncset.done $0x0  }
0x4b: {  	[sflag:s2] =	ssyncadd.s32 $0xFFFFC000  }
0x4c: {  	_ =	sfence.sel $0x180000  }
0x4d: {  	s3 =	simm.s32 $0x2;
	[bflag:$0x0] =	sbarrier.arrive $0xFFFF  }
0x4e: {  	[sflag:s3] =	ssyncpa.u1 $0x1  }
0x4f: {  	s31 =	simm.s32 $0x1;
	[sflag:s2] =	ssyncpa.u1 $0x1  }
0x50: {  	[sflag:s31] =	ssyncpa.u1 $0x1  }
0x51: {  	p0 =	sne.s32 s1, $0x0;
	_ =	strace $0x90000047  }
0x52: {  	s0 =	sadd.s32 @!p0 $0x100000, s0;
	[bflag:$0x2] =	sbarrier.arrive $0xFFFF  }
0x53: {  	[sflag:s0] =	ssyncadd.tile.s32 @!p0 $0x1;
	_ =	shalt  }
.Lfunc_end2:
_tile_overlayer_lowered:
.L_overlay_start_2:
0x54: {  	(tag) =	ssettag $0x2  }
0x55: {  	s0 =	rddreg [dreg:$0x0];
	s2 =	stileid.u32  }
0x56: {  	s1 =	rddreg [dreg:$0x1];
	p0 =	sne.s32 s2, $0x0  }
0x57: {  	s3 =	rddreg [dreg:$0x2];
	[bflag:$0x3] =	sbarrier.arrive $0xFFFF;
	s2 =	simm.s32 @!p0 $0x1C01  }
0x58: {  	[timem:s3], [sflag:s2] =	dma.local @!p0 [hbm:s0], s1  }
0x59: {  	s0 =	simm.s32 @!p0 $0x1  }
0x5a: {  	_ =	swait.ge @!p0 [sflag:s0], s1  }
0x5b: {  	s1 =	ssub.s32 @!p0 $0x0, s1;
	[sflag:s0] =	ssyncset.done @!p0 $0x0  }
0x5c: {  	[sflag:s0] =	ssyncadd.s32 @!p0 s1  }
0x5d: {  	[bflag:$0x3] =	sbarrier.arrive $0xFFFF  }
0x5e: {  	_ =	shalt  }

// kernel: gather_offload_async_start.2
scs
__scs_entry_jumppad:
0x0: {  	(pc) =	sbr.rel $0x88, $3  }
0x1: {  	(tag) =	ssettag $0x0;
	lr =	simm.s32 $0x1  }
0x2: {  	[smem:$0x3F9F] =	sst lr;
	_ =	strace $0xD0000000  }
0x3: {  	_ = 	snop  }
0x4: {  	_ = 	snop  }
0x5: {  	_ = 	snop  }
0x6: {  	_ = 	snop  }
0x7: {  	_ = 	snop  }
__scs_overlays_trampoline_lowered:
0x8: {  	[smem:$0x3FAE] =	sst s0  }
0x9: {  	[smem:$0x3FAF] =	sst s1  }
0xa: {  	[smem:$0x3FB0] =	sst s2  }
0xb: {  	[smem:$0x3FB1] =	sst s3  }
0xc: {  	[smem:$0x3FB2] =	sst s4  }
0xd: {  	[smem:$0x3FB3] =	sst s5  }
0xe: {  	[smem:$0x3FB4] =	sst s6  }
0xf: {  	[smem:$0x3FB5] =	sst s7  }
0x10: {  	[smem:$0x3FB6] =	sst s8  }
0x11: {  	[smem:$0x3FB7] =	sst s9;
	s0 =	simm.s32 @!p0 $0x0  }
0x12: {  	s1 =	sld [smem:$0x3F9D];
	s0 =	simm.s32 @p0 $0x1  }
0x13: {  	[smem:$0x3FB8] =	sst s0;
	s0 =	simm.s32 @!p1 $0x0  }
0x14: {  	s2 =	sld [smem:$0x3F9C];
	s0 =	simm.s32 @p1 $0x1  }
0x15: {  	[smem:$0x3FB9] =	sst s0;
	s0 =	simm.s32 @!p2 $0x0  }
0x16: {  	s3 =	sld [smem:$0x3FDB];
	s0 =	simm.s32 @p2 $0x1  }
0x17: {  	s4 =	simm.s32 $0x1BF5;
	[smem:$0x3FBB] =	sst s0  }
0x18: {  	s0 =	sld [smem:$0x3F9E];
	_ =	swait.ge [sflag:s4], $0x0  }
0x19: {  	s7 =	sld [smem:$0x3F9F]  }
0x1a: {  	s8 =	sadd.s32 $0xFFFFE003, lr  }
0x1b: {  	s9 =	sadd.s32 $0xFFFFFEF7, lr;
	s5 =	simm.s32 $0xFFFFFFFF;
	p2 =	slt.u32 s8, $0xFFFFF086  }
0x1c: {  	p1 =	slt.u32 s9, $0xF7A;
	s5 =	simm.s32 @!p2 $0x0  }
0x1d: {  	s5 =	simm.s32 @p1 $0x1;
	p0 =	seq.s32 s7, s2  }
0x1e: {  	s7 =	smul.u32 @!p0 $0xF7A, s2;
	p2 =	seq.s32 @!p0 s5, $0x0  }
0x1f: {  	s9 =	smul.u32 $0xF7A, s1;
	s8 =	simm.s32 @!p0 $0x1BF5;
	p2 =	por !p2, p0  }
0x20: {  	[sflag:s8] =	ssyncset.s32 @!p0 $0xFFFFF086;
	s6 =	sadd.s32 @!p0 s3, s7;
	s7 =	simm.s32 @!p0 $0x108  }
0x21: {  	s3 =	sadd.s32 s3, s9;
	s6 =	sadd.s32 @!p0 $0x88, s6;
	s7 =	simm.s32 @p2 $0x1082  }
0x22: {  	[simem:s7], [sflag:s8] =	dma.local @!p0 [hbm:s6], $0xF7A  }
0x23: {  	s9 =	sor.u32 $0xD0000000, s2;
	s6 =	simm.s32 $0x108;
	_ =	swait.ge @!p0 [sflag:s8], $0x0  }
0x24: {  	s3 =	sadd.s32 $0x88, s3;
	s6 =	simm.s32 @!p1 $0x1082;
	[sflag:s4] =	ssyncset.s32 $0xFFFFF086  }
0x25: {  	[simem:s6], [sflag:s4] =	dma.local [hbm:s3], $0xF7A  }
0x26: {  	[smem:$0x3F9F] =	sst s1;
	(tag) =	ssettag s2;
	_ =	strace s9  }
0x27: {  	s1 =	sld [smem:$0x3FAF]  }
0x28: {  	s2 =	sld [smem:$0x3FB0]  }
0x29: {  	s4 =	sld [smem:$0x3FB2]  }
0x2a: {  	p0 =	seq.s32 s5, $0x0;
	s5 =	sld [smem:$0x3FB3]  }
0x2b: {  	s6 =	sld [smem:$0x3FB4]  }
0x2c: {  	s7 =	sld [smem:$0x3FB5]  }
0x2d: {  	s3 =	simm.s32 $0x108;
	s8 =	sld [smem:$0x3FB6]  }
0x2e: {  	s3 =	simm.s32 @!p0 $0x1082;
	s9 =	sld [smem:$0x3FB7]  }
0x2f: {  	lr =	sadd.s32 s0, s3;
	s0 =	sld [smem:$0x3FAE]  }
0x30: {  	s3 =	sld [smem:$0x3FB1]  }
0x31: {  	[smem:$0x3FBA] =	sst s10  }
0x32: {  	s10 =	sld [smem:$0x3FB8];
	_ =	sdelay $0x3  }
0x33: {  	p0 =	seq.s32 s10, $0x1;
	s10 =	sld [smem:$0x3FBA];
	_ =	sdelay $0x3  }
0x34: {  	[smem:$0x3FBA] =	sst s10  }
0x35: {  	s10 =	sld [smem:$0x3FB9];
	_ =	sdelay $0x3  }
0x36: {  	p1 =	seq.s32 s10, $0x1;
	s10 =	sld [smem:$0x3FBA];
	_ =	sdelay $0x3  }
0x37: {  	[smem:$0x3FBA] =	sst s10  }
0x38: {  	s10 =	sld [smem:$0x3FBB]  }
0x39: {  	_ = 	snop;
	(pc) =	sbr.ind lr, $3  }
0x3a: {  	_ = 	snop  }
0x3b: {  	_ = 	snop  }
0x3c: {  	p2 =	seq.s32 s10, $0x1;
	s10 =	sld [smem:$0x3FBA]  }
0x3d: {  	_ =	shalt  }
0x3e: {  	_ =	shalt  }
0x3f: {  	_ =	shalt  }
0x40: {  	_ =	shalt  }
0x41: {  	_ =	shalt  }
0x42: {  	_ =	shalt  }
0x43: {  	_ =	shalt  }
0x44: {  	_ =	shalt  }
0x45: {  	_ =	shalt  }
0x46: {  	_ =	shalt  }
0x47: {  	_ =	shalt  }
0x48: {  	_ =	shalt  }
0x49: {  	_ =	shalt  }
0x4a: {  	_ =	shalt  }
0x4b: {  	_ =	shalt  }
0x4c: {  	_ =	shalt  }
0x4d: {  	_ =	shalt  }
0x4e: {  	_ =	shalt  }
0x4f: {  	_ =	shalt  }
0x50: {  	_ =	shalt  }
0x51: {  	_ =	shalt  }
0x52: {  	_ =	shalt  }
0x53: {  	_ =	shalt  }
0x54: {  	_ =	shalt  }
0x55: {  	_ =	shalt  }
0x56: {  	_ =	shalt  }
0x57: {  	_ =	shalt  }
0x58: {  	_ =	shalt  }
0x59: {  	_ =	shalt  }
0x5a: {  	_ =	shalt  }
0x5b: {  	_ =	shalt  }
0x5c: {  	_ =	shalt  }
0x5d: {  	_ =	shalt  }
0x5e: {  	_ =	shalt  }
0x5f: {  	_ =	shalt  }
0x60: {  	_ =	shalt  }
0x61: {  	_ =	shalt  }
0x62: {  	_ =	shalt  }
0x63: {  	_ =	shalt  }
0x64: {  	_ =	shalt  }
0x65: {  	_ =	shalt  }
0x66: {  	_ =	shalt  }
0x67: {  	_ =	shalt  }
0x68: {  	_ =	shalt  }
0x69: {  	_ =	shalt  }
0x6a: {  	_ =	shalt  }
0x6b: {  	_ =	shalt  }
0x6c: {  	_ =	shalt  }
0x6d: {  	_ =	shalt  }
0x6e: {  	_ =	shalt  }
0x6f: {  	_ =	shalt  }
0x70: {  	_ =	shalt  }
0x71: {  	_ =	shalt  }
0x72: {  	_ =	shalt  }
0x73: {  	_ =	shalt  }
0x74: {  	_ =	shalt  }
0x75: {  	_ =	shalt  }
0x76: {  	_ =	shalt  }
0x77: {  	_ =	shalt  }
0x78: {  	_ =	shalt  }
0x79: {  	_ =	shalt  }
0x7a: {  	_ =	shalt  }
0x7b: {  	_ =	shalt  }
0x7c: {  	_ =	shalt  }
0x7d: {  	_ =	shalt  }
0x7e: {  	_ =	shalt  }
0x7f: {  	_ =	shalt  }
0x80: {  	_ =	shalt  }
0x81: {  	_ =	shalt  }
0x82: {  	_ =	shalt  }
0x83: {  	_ =	shalt  }
0x84: {  	_ =	shalt  }
0x85: {  	_ =	shalt  }
0x86: {  	_ =	shalt  }
0x87: {  	_ =	shalt  }
.Lfunc_end0:
.L_simem_size_0:
called_computation.3_lowered:
.L_overlay_start_0:
0x88: {  	s2 =	sld [smem:$0x3FD9]  }
0x89: {  	s3 =	sld [smem:$0x3FFE];
	_ =	sdelay $0x1  }
0x8a: {  	s1 =	srdreg.scid  }
0x8b: {  	s0 =	sand.u32 $0x1, s1  }
0x8c: {  	s17 =	sshll.u32 s0, $0xA;
	s2 =	sadd.s32 s3, s2  }
0x8d: {  	s2 =	sadd.s32 s2, s17  }
0x8e: {  	[smem:$0x3FC6] =	sst s2  }
0x8f: {  	_ = 	snop  }
0x90: {  	(tm) =	ssettm $0x1  }
0x91: {  	s18 =	sld [smem:$0x3FFB];
	_ =	sdelay $0x3  }
0x92: {  	_ =	strace s18  }
0x93: {  	s2 =	sld [smem:$0x3FFC];
	_ =	sdelay $0x3  }
0x94: {  	_ =	strace s2  }
0x95: {  	s2 =	sld [smem:$0x3FFD];
	_ =	sdelay $0x3  }
0x96: {  	_ =	strace s2  }
0x97: {  	_ =	strace $0x8FFFFFFF  }
0x98: {  	s19 =	sld [smem:$0x3FDB];
	_ =	sdelay $0x1  }
0x99: {  	s20 =	simm.s32 $_scs_section_size  }
0x9a: {  	s4 =	simm.s32 $_size__tile_overlayer_lowered;
	s5 =	simm.s32 $_tile_overlayer_lowered  }
0x9b: {  	s6 =	simm.s32 $0x1BFF;
	s21 =	sshll.u32 s5, $0x1;
	s3 =	sadd.s32 s20, s19  }
0x9c: {  	s22 =	simm.s32 $0x0;
	s4 =	sshll.u32 s4, $0x1;
	s5 =	sadd.s32 s21, s3  }
0x9d: {  	[timem:s22], [sflag:s6] =	dma.local [hbm:s5], s4  }
0x9e: {  	_ =	swait.ge [sflag:s6], s4  }
0x9f: {  	s4 =	ssub.s32 $0x0, s4;
	[sflag:s6] =	ssyncset.done $0x0  }
0xa0: {  	[sflag:s6] =	ssyncadd.s32 s4;
	_ =	sdelay $0x1  }
0xa1: {  	s23 =	simm.s32 $0x1B8B  }
0xa2: {  	_ =	swait.ge [sflag:s23], $0x1  }
0xa3: {  	[sflag:s23] =	ssyncset.done $0x0  }
0xa4: {  	[sflag:s23] =	ssyncadd.s32 $0xFFFFFFFF  }
0xa5: {  	s4 =	sld [smem:$0x0]  }
0xa6: {  	s5 =	sand.u32 $0xFFFFFFFE, s1  }
0xa7: {  	p0 =	sne.s32 s1, s5  }
0xa8: {  	s5 =	sshll.u32 @p0 s5, $0xE  }
0xa9: {  	s5 =	sadd.s32 @p0 $0x11B8D, s5;
	s6 =	sshll.u32 @p0 s4, $0x11  }
0xaa: {  	s5 =	sor.u32 @p0 s6, s5  }
0xab: {  	[sflag:s5] =	ssyncadd.remote.s32 @p0 $0x1;
	_ =	sdelay $0x1  }
0xac: {  	s5 =	simm.s32 @p0 $0x1B8D  }
0xad: {  	_ =	swait.eq @p0 [sflag:s5], $0x1  }
0xae: {  	[sflag:s5] =	ssyncadd.s32 @p0 $0xFFFFFFFF  }
0xaf: {  	s6 =	sshll.u32 @!p0 s1, $0xE  }
0xb0: {  	s6 =	sor.u32 @!p0 $0x4000, s6;
	s5 =	simm.s32 @!p0 $0x1B8D  }
0xb1: {  	s4 =	sshll.u32 @!p0 s4, $0x11;
	s6 =	sadd.s32 @!p0 $0x11B8D, s6;
	_ =	swait.eq @!p0 [sflag:s5], $0x1  }
0xb2: {  	s4 =	sor.u32 @!p0 s4, s6;
	[sflag:s5] =	ssyncadd.s32 @!p0 $0xFFFFFFFF  }
0xb3: {  	s25 =	simm.s32 $0x1B8E;
	s24 =	sld [smem:$0x3FFE];
	[sflag:s4] =	ssyncadd.remote.s32 @!p0 $0x1  }
0xb4: {  	s26 =	simm.s32 $execute0_lowered;
	[smem:$0x3FD2] =	sst s25  }
0xb5: {  	s5 =	sshll.u32 s26, $0x1;
	_ =	strace $0x80000049;
	[dreg:$0x1] =	wrdreg $0xFFFFFFFF  }
0xb6: {  	s28 =	simm.s32 $_size_execute0_lowered;
	s3 =	sadd.s32 s3, s5;
	[dreg:$0x0] =	wrdreg $0x0  }
0xb7: {  	s5 =	sshll.u32 s28, $0x1;
	[dreg:$0x2] =	wrdreg s3  }
0xb8: {  	[dreg:$0x3] =	wrdreg s5  }
0xb9: {  	[dreg:$0x4] =	wrdreg $0xC0  }
0xba: {  	_ =	task [dreg:s22], $0x5FFFF  }
0xbb: {  	[dreg:$0x1] =	wrdreg $0xFFFFFFFF  }
0xbc: {  	[dreg:$0x0] =	wrdreg $0x60  }
0xbd: {  	[dreg:$0x2] =	wrdreg s24  }
0xbe: {  	[dreg:$0x3] =	wrdreg $0xB  }
0xbf: {  	_ =	task.clear_ibuf [dreg:s22], $0x4FFFF;
	_ =	strace $0x90000049  }
0xc0: {  	s29 =	simm.s32 $0xB;
	_ =	strace $0x8000004B  }
0xc1: {  	_ =	swait.ge [sflag:s29], $0x1  }
0xc2: {  	[sflag:s29] =	ssyncadd.s32 $0xFFFFFFFF  }
0xc3: {  	_ =	strace $0x9000004B  }
0xc4: {  	_ =	sfence  }
0xc5: {  	s30 =	sld [smem:$0x0];
	_ =	sdelay $0x2  }
0xc6: {  	s31 =	sshll.u32 s1, $0xD;
	s1 =	sshrl.u32 s1, $0x2  }
0xc7: {  	s4 =	sand.u32 $0x4000, s31;
	s1 =	sadd.s32 s1, s30  }
0xc8: {  	s0 =	sor.u32 s4, s0;
	s1 =	sshll.u32 s1, $0x11  }
0xc9: {  	s0 =	sor.u32 s1, s0  }
0xca: {  	s0 =	sadd.s32 $0x8F2B, s0  }
0xcb: {  	[sflag:s0] =	ssyncadd.remote.s32 $0x1  }
0xcc: {  	_ =	sfence.sel $0xFFFF  }
0xcd: {  	[dreg:$0x0] =	wrdreg $0xFFFFFFFF;
	(pc) =	sbr.abs _section_cstart, $3  }
0xce: {  	[dreg:$0x1] =	wrdreg $0xFFFFFFFF  }
0xcf: {  	_ =	task.clear_ibuf [dreg:s22], $0x2FFFF;
	_ =	strace $0x9FFFFFFF  }
0xd0: {  	(tm) =	ssettm $0x7FFFFFFF  }
0xd1: {  	_ =	shalt  }
tec
execute0_lowered:
.L_overlay_start_1:
0x0: {  	(tag) =	ssettag $0x1  }
0x1: {  	s2 =	rddreg [dreg:$0x0]  }
0x2: {  	s0 =	rddreg [dreg:$0x1]  }
0x3: {  	s1 =	srdreg.scid;
	_ =	strace $0x8000004A;
	s4 =	simm.s32 $0x1  }
0x4: {  	s9 =	simm.s32 $0x3;
	s12 =	simm.s32 $0x0;
	s5 =	sshll.u32 s1, $0x4  }
.Ltmp0:
0x5: {  	s1 =	stileid.u32;
	s5 =	sand.u32 $0x10, s5;
	(pc) =	sbr.rel .LBB2_1-.Ltmp0, $4  }
0x6: {  	s10 =	simm.s32 $0x0;
	s3 =	sadd.s32 $0x10200, s2;
	s6 =	sor.u32 s1, s5  }
0x7: {  	[sflag:s4] =	ssyncpa.u1 $0x0;
	s5 =	simm.s32 $0x2;
	s6 =	sshll.u32 s6, $0x7  }
0x8: {  	s7 =	sadd.s32 $0x20200, s2;
	[sflag:s5] =	ssyncpa.u1 $0x0;
	s8 =	sadd.s32 $0x80, s6  }
0x9: {  	vm0 =	vmmov $0xff;
	vm1 =	vcmask $0x3F20;
	[sflag:s9] =	ssyncpa.u1 $0x0;
	s9 =	simm.s32 $0x80;
	s11 =	smov.u32 s6  }
.LBB2_9:
0xa: {  	p0 =	seq.s32 s10, $0x2  }
.Ltmp1:
0xb: {  	_ = 	snop;
	(pc) =	sbr.rel @p0 .LBB2_11-.Ltmp1, $1  }
0xc: {  	_ =	sdelay $0x3  }
.LBB2_10:
0xd: {  	s12 =	sadd.s32 $0x80, s11  }
0xe: {  	s13 =	smov.u32 s6;
	p0 =	slt.s32 s12, s8  }
0xf: {  	s13 =	smov.u32 @p0 s12  }
0x10: {  	s10 =	sadd.s32 $0x1, s10;
	s12 =	smov.u32 s11;
	s11 =	smov.u32 s13  }
.LBB2_1:
0x11: {  	p0 =	sne.s32 s10, $0x0  }
.Ltmp2:
0x12: {  	_ = 	snop;
	(pc) =	sbr.rel @!p0 .LBB2_2-.Ltmp2, $1  }
0x13: {  	_ =	sdelay $0x3  }
0x14: {  	s13 =	sand.u32 $0x1, s10  }
0x15: {  	p0 =	seq.s32 s13, $0x0  }
.Ltmp3:
0x16: {  	_ = 	snop;
	(pc) =	sbr.rel @p0 .LBB2_9-.Ltmp3, $1  }
0x17: {  	_ =	sdelay $0x3  }
0x18: {  	_ =	swait.ge [sflag:s5], $0x80  }
0x19: {  	[sflag:s5] =	ssyncset.done $0x0  }
0x1a: {  	s13 =	simm.s32 $0x0;
	[sflag:s5] =	ssyncadd.s32 $0xFFFFFF80  }
0x1b: {  	v0 =	vld.msk [tilespmem:s13+$0x80 ss:$0x1], $0xffff;
	_ =	sdelay $0x4  }
0x1c: {  	vm2 =	vgt.s32 v0, $0x0  }
0x1d: {  	v0 =	vnsel vm2, $0x0, v0  }
0x1e: {  	v0 =	vmin.u32 v0, $0xFFF  }
0x1f: {  	v0 =	vshll.u32 v0, $0x4;
	_ =	sdelay $0x3  }
0x20: {  	s13 =	simm.s32 $0x4100  }
0x21: {  	[tilespmem:s13], [sflag:$0x1] =	stream.indirect_vreg.gather [hbm:s3], $0x80, v0, vm0, $0x38;
	[tilespmem:$0x8100] =	vst v63  }
0x22: {  	s14 =	simm.s32 $0x4500;
	s31 =	simm.s32 $0x10  }
0x23: {  	[tilespmem:s14], [sflag:$0x1] =	stream.indirect_vreg.gather [hbm:s3], $0x80, v0, vm1, $0x38;
	[tilespmem:$0x8100] =	vst v63  }
0x24: {  	s14 =	simm.s32 $0x80;
	v0 =	vld.msk [tilespmem:s31+$0x80 ss:$0x1], $0xffff  }
.LBB2_5:
0x25: {  	p0 =	sne.s32 s14, $0x1C0;
	_ =	sdelay $0x4  }
0x26: {  	vm2 =	vgt.s32 v0, $0x0  }
0x27: {  	v0 =	vnsel vm2, $0x0, v0  }
0x28: {  	v0 =	vmin.u32 v0, $0xFFF  }
0x29: {  	v0 =	vshll.u32 v0, $0x4;
	_ =	sdelay $0x3  }
.Ltmp4:
0x2a: {  	s13 =	sadd.s32 $0x800, s13;
	(pc) =	sbr.rel @p0 .LBB2_5-.Ltmp4, $4  }
0x2b: {  	[tilespmem:s13], [sflag:$0x1] =	stream.indirect_vreg.gather [hbm:s3], $0x80, v0, vm0, $0x38;
	[tilespmem:$0x8100] =	vst v63  }
0x2c: {  	s15 =	sshra.s32 s14, $0x2;
	s16 =	sadd.s32 $0x400, s13  }
0x2d: {  	[tilespmem:s16], [sflag:$0x1] =	stream.indirect_vreg.gather [hbm:s3], $0x80, v0, vm1, $0x38;
	[tilespmem:$0x8100] =	vst v63  }
0x2e: {  	s14 =	sadd.s32 $0x40, s14;
	v0 =	vld.msk [tilespmem:s15+$0x80 ss:$0x1], $0xffff  }
0x2f: {  	_ =	sdelay $0x3  }
0x30: {  	vm2 =	vgt.s32 v0, $0x0  }
0x31: {  	v0 =	vnsel vm2, $0x0, v0  }
0x32: {  	v0 =	vmin.u32 v0, $0xFFF  }
0x33: {  	v0 =	vshll.u32 v0, $0x4;
	_ =	sdelay $0x3  }
0x34: {  	s13 =	sadd.s32 $0x800, s13  }
0x35: {  	[tilespmem:s13], [sflag:$0x1] =	stream.indirect_vreg.gather [hbm:s3], $0x80, v0, vm0, $0x38;
	[tilespmem:$0x8100] =	vst v63  }
0x36: {  	s13 =	sadd.s32 $0x400, s13  }
0x37: {  	[tilespmem:s13], [sflag:$0x1] =	stream.indirect_vreg.gather [hbm:s3], $0x80, v0, vm1, $0x38;
	[tilespmem:$0x8100] =	vst v63  }
0x38: {  	s12 =	sshll.u32 s12, $0x4;
	s14 =	simm.s32 $0x80;
	_ =	swait.ge [sflag:s4], $0x4000  }
0x39: {  	s15 =	simm.s32 $0x4500;
	s12 =	sadd.s32 s12, s7;
	[sflag:s4] =	ssyncset.done $0x0  }
0x3a: {  	s16 =	sadd.s32 $0x0, s12;
	s13 =	simm.s32 $0x4100;
	[sflag:s4] =	ssyncadd.s32 $0xFFFFC000  }
.LBB2_7:
0x3b: {  	[hbm:s16] =	stream.linear.scatter [tilespmem:s13], [sflag:$0x3], $0x400, $0x38;
	[tilespmem:$0x8100] =	vst v63  }
0x3c: {  	s16 =	smov.u32 s14;
	s13 =	smov.u32 s15;
	p0 =	sne.s32 s14, $0x780  }
.Ltmp5:
0x3d: {  	s14 =	sadd.s32 $0x80, s14;
	(pc) =	sbr.rel @p0 .LBB2_7-.Ltmp5, $2  }
0x3e: {  	_ =	sdelay $0x2  }
0x3f: {  	s15 =	sadd.s32 $0x400, s15;
	s16 =	sadd.s32 s16, s12  }
.Ltmp6:
0x40: {  	(pc) =	sbr.rel .LBB2_9-.Ltmp6, $2  }
0x41: {  	_ =	sdelay $0x2  }
0x42: {  	[hbm:s16] =	stream.linear.scatter [tilespmem:s13], [sflag:$0x3], $0x400, $0x38;
	[tilespmem:$0x8100] =	vst v63  }
.LBB2_2:
.Ltmp7:
0x43: {  	(pc) =	sbr.rel .LBB2_10-.Ltmp7, $4  }
0x44: {  	_ = 	snop  }
0x45: {  	s12 =	sshrl.u32 s11, $0x3  }
0x46: {  	s13 =	sand.u32 $0x7, s11;
	s12 =	sadd.s32 s2, s12  }
0x47: {  	[tilespmem:s9], [sflag:$0x2] =	stream.linear.gather [hbm4b:s12+s13], $0x80, $0x38;
	[tilespmem:$0x8100] =	vst v63  }
.LBB2_11:
0x48: {  	s2 =	simm.s32 $0x3  }
0x49: {  	_ =	swait.ge [sflag:s2], $0x4000  }
0x4a: {  	[sflag:s2] =	ssyncset.done $0x0  }
0x4b: {  	[sflag:s2] =	ssyncadd.s32 $0xFFFFC000  }
0x4c: {  	_ =	sfence.sel $0x180000  }
0x4d: {  	s3 =	simm.s32 $0x2;
	[bflag:$0x0] =	sbarrier.arrive $0xFFFF  }
0x4e: {  	[sflag:s3] =	ssyncpa.u1 $0x1  }
0x4f: {  	s31 =	simm.s32 $0x1;
	[sflag:s2] =	ssyncpa.u1 $0x1  }
0x50: {  	[sflag:s31] =	ssyncpa.u1 $0x1  }
0x51: {  	p0 =	sne.s32 s1, $0x0;
	_ =	strace $0x9000004A  }
0x52: {  	s0 =	sadd.s32 @!p0 $0x100000, s0;
	[bflag:$0x2] =	sbarrier.arrive $0xFFFF  }
0x53: {  	[sflag:s0] =	ssyncadd.tile.s32 @!p0 $0x1;
	_ =	shalt  }
.Lfunc_end2:
_tile_overlayer_lowered:
.L_overlay_start_2:
0x54: {  	(tag) =	ssettag $0x2  }
0x55: {  	s0 =	rddreg [dreg:$0x0];
	s2 =	stileid.u32  }
0x56: {  	s1 =	rddreg [dreg:$0x1];
	p0 =	sne.s32 s2, $0x0  }
0x57: {  	s3 =	rddreg [dreg:$0x2];
	[bflag:$0x3] =	sbarrier.arrive $0xFFFF;
	s2 =	simm.s32 @!p0 $0x1C01  }
0x58: {  	[timem:s3], [sflag:s2] =	dma.local @!p0 [hbm:s0], s1  }
0x59: {  	s0 =	simm.s32 @!p0 $0x1  }
0x5a: {  	_ =	swait.ge @!p0 [sflag:s0], s1  }
0x5b: {  	s1 =	ssub.s32 @!p0 $0x0, s1;
	[sflag:s0] =	ssyncset.done @!p0 $0x0  }
0x5c: {  	[sflag:s0] =	ssyncadd.s32 @!p0 s1  }
0x5d: {  	[bflag:$0x3] =	sbarrier.arrive $0xFFFF  }
0x5e: {  	_ =	shalt  }

// kernel: gather_offload_async_start
scs
__scs_entry_jumppad:
0x0: {  	(pc) =	sbr.rel $0x88, $3  }
0x1: {  	(tag) =	ssettag $0x0;
	lr =	simm.s32 $0x1  }
0x2: {  	[smem:$0x3F9F] =	sst lr;
	_ =	strace $0xD0000000  }
0x3: {  	_ = 	snop  }
0x4: {  	_ = 	snop  }
0x5: {  	_ = 	snop  }
0x6: {  	_ = 	snop  }
0x7: {  	_ = 	snop  }
__scs_overlays_trampoline_lowered:
0x8: {  	[smem:$0x3FAE] =	sst s0  }
0x9: {  	[smem:$0x3FAF] =	sst s1  }
0xa: {  	[smem:$0x3FB0] =	sst s2  }
0xb: {  	[smem:$0x3FB1] =	sst s3  }
0xc: {  	[smem:$0x3FB2] =	sst s4  }
0xd: {  	[smem:$0x3FB3] =	sst s5  }
0xe: {  	[smem:$0x3FB4] =	sst s6  }
0xf: {  	[smem:$0x3FB5] =	sst s7  }
0x10: {  	[smem:$0x3FB6] =	sst s8  }
0x11: {  	[smem:$0x3FB7] =	sst s9;
	s0 =	simm.s32 @!p0 $0x0  }
0x12: {  	s1 =	sld [smem:$0x3F9D];
	s0 =	simm.s32 @p0 $0x1  }
0x13: {  	[smem:$0x3FB8] =	sst s0;
	s0 =	simm.s32 @!p1 $0x0  }
0x14: {  	s2 =	sld [smem:$0x3F9C];
	s0 =	simm.s32 @p1 $0x1  }
0x15: {  	[smem:$0x3FB9] =	sst s0;
	s0 =	simm.s32 @!p2 $0x0  }
0x16: {  	s3 =	sld [smem:$0x3FDB];
	s0 =	simm.s32 @p2 $0x1  }
0x17: {  	s4 =	simm.s32 $0x1BF5;
	[smem:$0x3FBB] =	sst s0  }
0x18: {  	s0 =	sld [smem:$0x3F9E];
	_ =	swait.ge [sflag:s4], $0x0  }
0x19: {  	s7 =	sld [smem:$0x3F9F]  }
0x1a: {  	s8 =	sadd.s32 $0xFFFFE003, lr  }
0x1b: {  	s9 =	sadd.s32 $0xFFFFFEF7, lr;
	s5 =	simm.s32 $0xFFFFFFFF;
	p2 =	slt.u32 s8, $0xFFFFF086  }
0x1c: {  	p1 =	slt.u32 s9, $0xF7A;
	s5 =	simm.s32 @!p2 $0x0  }
0x1d: {  	s5 =	simm.s32 @p1 $0x1;
	p0 =	seq.s32 s7, s2  }
0x1e: {  	s7 =	smul.u32 @!p0 $0xF7A, s2;
	p2 =	seq.s32 @!p0 s5, $0x0  }
0x1f: {  	s9 =	smul.u32 $0xF7A, s1;
	s8 =	simm.s32 @!p0 $0x1BF5;
	p2 =	por !p2, p0  }
0x20: {  	[sflag:s8] =	ssyncset.s32 @!p0 $0xFFFFF086;
	s6 =	sadd.s32 @!p0 s3, s7;
	s7 =	simm.s32 @!p0 $0x108  }
0x21: {  	s3 =	sadd.s32 s3, s9;
	s6 =	sadd.s32 @!p0 $0x88, s6;
	s7 =	simm.s32 @p2 $0x1082  }
0x22: {  	[simem:s7], [sflag:s8] =	dma.local @!p0 [hbm:s6], $0xF7A  }
0x23: {  	s9 =	sor.u32 $0xD0000000, s2;
	s6 =	simm.s32 $0x108;
	_ =	swait.ge @!p0 [sflag:s8], $0x0  }
0x24: {  	s3 =	sadd.s32 $0x88, s3;
	s6 =	simm.s32 @!p1 $0x1082;
	[sflag:s4] =	ssyncset.s32 $0xFFFFF086  }
0x25: {  	[simem:s6], [sflag:s4] =	dma.local [hbm:s3], $0xF7A  }
0x26: {  	[smem:$0x3F9F] =	sst s1;
	(tag) =	ssettag s2;
	_ =	strace s9  }
0x27: {  	s1 =	sld [smem:$0x3FAF]  }
0x28: {  	s2 =	sld [smem:$0x3FB0]  }
0x29: {  	s4 =	sld [smem:$0x3FB2]  }
0x2a: {  	p0 =	seq.s32 s5, $0x0;
	s5 =	sld [smem:$0x3FB3]  }
0x2b: {  	s6 =	sld [smem:$0x3FB4]  }
0x2c: {  	s7 =	sld [smem:$0x3FB5]  }
0x2d: {  	s3 =	simm.s32 $0x108;
	s8 =	sld [smem:$0x3FB6]  }
0x2e: {  	s3 =	simm.s32 @!p0 $0x1082;
	s9 =	sld [smem:$0x3FB7]  }
0x2f: {  	lr =	sadd.s32 s0, s3;
	s0 =	sld [smem:$0x3FAE]  }
0x30: {  	s3 =	sld [smem:$0x3FB1]  }
0x31: {  	[smem:$0x3FBA] =	sst s10  }
0x32: {  	s10 =	sld [smem:$0x3FB8];
	_ =	sdelay $0x3  }
0x33: {  	p0 =	seq.s32 s10, $0x1;
	s10 =	sld [smem:$0x3FBA];
	_ =	sdelay $0x3  }
0x34: {  	[smem:$0x3FBA] =	sst s10  }
0x35: {  	s10 =	sld [smem:$0x3FB9];
	_ =	sdelay $0x3  }
0x36: {  	p1 =	seq.s32 s10, $0x1;
	s10 =	sld [smem:$0x3FBA];
	_ =	sdelay $0x3  }
0x37: {  	[smem:$0x3FBA] =	sst s10  }
0x38: {  	s10 =	sld [smem:$0x3FBB]  }
0x39: {  	_ = 	snop;
	(pc) =	sbr.ind lr, $3  }
0x3a: {  	_ = 	snop  }
0x3b: {  	_ = 	snop  }
0x3c: {  	p2 =	seq.s32 s10, $0x1;
	s10 =	sld [smem:$0x3FBA]  }
0x3d: {  	_ =	shalt  }
0x3e: {  	_ =	shalt  }
0x3f: {  	_ =	shalt  }
0x40: {  	_ =	shalt  }
0x41: {  	_ =	shalt  }
0x42: {  	_ =	shalt  }
0x43: {  	_ =	shalt  }
0x44: {  	_ =	shalt  }
0x45: {  	_ =	shalt  }
0x46: {  	_ =	shalt  }
0x47: {  	_ =	shalt  }
0x48: {  	_ =	shalt  }
0x49: {  	_ =	shalt  }
0x4a: {  	_ =	shalt  }
0x4b: {  	_ =	shalt  }
0x4c: {  	_ =	shalt  }
0x4d: {  	_ =	shalt  }
0x4e: {  	_ =	shalt  }
0x4f: {  	_ =	shalt  }
0x50: {  	_ =	shalt  }
0x51: {  	_ =	shalt  }
0x52: {  	_ =	shalt  }
0x53: {  	_ =	shalt  }
0x54: {  	_ =	shalt  }
0x55: {  	_ =	shalt  }
0x56: {  	_ =	shalt  }
0x57: {  	_ =	shalt  }
0x58: {  	_ =	shalt  }
0x59: {  	_ =	shalt  }
0x5a: {  	_ =	shalt  }
0x5b: {  	_ =	shalt  }
0x5c: {  	_ =	shalt  }
0x5d: {  	_ =	shalt  }
0x5e: {  	_ =	shalt  }
0x5f: {  	_ =	shalt  }
0x60: {  	_ =	shalt  }
0x61: {  	_ =	shalt  }
0x62: {  	_ =	shalt  }
0x63: {  	_ =	shalt  }
0x64: {  	_ =	shalt  }
0x65: {  	_ =	shalt  }
0x66: {  	_ =	shalt  }
0x67: {  	_ =	shalt  }
0x68: {  	_ =	shalt  }
0x69: {  	_ =	shalt  }
0x6a: {  	_ =	shalt  }
0x6b: {  	_ =	shalt  }
0x6c: {  	_ =	shalt  }
0x6d: {  	_ =	shalt  }
0x6e: {  	_ =	shalt  }
0x6f: {  	_ =	shalt  }
0x70: {  	_ =	shalt  }
0x71: {  	_ =	shalt  }
0x72: {  	_ =	shalt  }
0x73: {  	_ =	shalt  }
0x74: {  	_ =	shalt  }
0x75: {  	_ =	shalt  }
0x76: {  	_ =	shalt  }
0x77: {  	_ =	shalt  }
0x78: {  	_ =	shalt  }
0x79: {  	_ =	shalt  }
0x7a: {  	_ =	shalt  }
0x7b: {  	_ =	shalt  }
0x7c: {  	_ =	shalt  }
0x7d: {  	_ =	shalt  }
0x7e: {  	_ =	shalt  }
0x7f: {  	_ =	shalt  }
0x80: {  	_ =	shalt  }
0x81: {  	_ =	shalt  }
0x82: {  	_ =	shalt  }
0x83: {  	_ =	shalt  }
0x84: {  	_ =	shalt  }
0x85: {  	_ =	shalt  }
0x86: {  	_ =	shalt  }
0x87: {  	_ =	shalt  }
.Lfunc_end0:
.L_simem_size_0:
called_computation.1_lowered:
.L_overlay_start_0:
0x88: {  	s2 =	sld [smem:$0x3FD9]  }
0x89: {  	s3 =	sld [smem:$0x3FFE];
	_ =	sdelay $0x1  }
0x8a: {  	s1 =	srdreg.scid  }
0x8b: {  	s0 =	sand.u32 $0x1, s1  }
0x8c: {  	s16 =	sshll.u32 s0, $0xA;
	s2 =	sadd.s32 s3, s2  }
0x8d: {  	s2 =	sadd.s32 s2, s16  }
0x8e: {  	[smem:$0x3FC6] =	sst s2  }
0x8f: {  	_ = 	snop  }
0x90: {  	(tm) =	ssettm $0x1  }
0x91: {  	s17 =	sld [smem:$0x3FFB];
	_ =	sdelay $0x3  }
0x92: {  	_ =	strace s17  }
0x93: {  	s2 =	sld [smem:$0x3FFC];
	_ =	sdelay $0x3  }
0x94: {  	_ =	strace s2  }
0x95: {  	s2 =	sld [smem:$0x3FFD];
	_ =	sdelay $0x3  }
0x96: {  	_ =	strace s2  }
0x97: {  	_ =	strace $0x8FFFFFFF  }
0x98: {  	s18 =	sld [smem:$0x3FDB];
	_ =	sdelay $0x1  }
0x99: {  	s19 =	simm.s32 $_scs_section_size  }
0x9a: {  	s4 =	simm.s32 $_size__tile_overlayer_lowered;
	s5 =	simm.s32 $_tile_overlayer_lowered  }
0x9b: {  	s22 =	simm.s32 $0x1BFF;
	s21 =	sshll.u32 s5, $0x1;
	s2 =	sadd.s32 s19, s18  }
0x9c: {  	s6 =	simm.s32 $0x0;
	s20 =	sshll.u32 s4, $0x1;
	s4 =	sadd.s32 s21, s2  }
0x9d: {  	[timem:s6], [sflag:s22] =	dma.local [hbm:s4], s20  }
0x9e: {  	_ =	swait.ge [sflag:s22], s20  }
0x9f: {  	s3 =	ssub.s32 $0x0, s20;
	[sflag:s22] =	ssyncset.done $0x0  }
0xa0: {  	[sflag:s22] =	ssyncadd.s32 s3;
	_ =	sdelay $0x1  }
0xa1: {  	s23 =	simm.s32 $0x1B8B  }
0xa2: {  	_ =	swait.ge [sflag:s23], $0x1  }
0xa3: {  	[sflag:s23] =	ssyncset.done $0x0  }
0xa4: {  	s25 =	simm.s32 $0x1B8E;
	s24 =	sld [smem:$0x3FFE];
	[sflag:s23] =	ssyncadd.s32 $0xFFFFFFFF  }
0xa5: {  	s26 =	simm.s32 $execute0_lowered;
	[smem:$0x3FD2] =	sst s25  }
0xa6: {  	s4 =	sshll.u32 s26, $0x1;
	_ =	strace $0x8000004F;
	[dreg:$0x1] =	wrdreg $0xFFFFFFFF  }
0xa7: {  	s28 =	simm.s32 $_size_execute0_lowered;
	s2 =	sadd.s32 s2, s4;
	[dreg:$0x0] =	wrdreg $0x0  }
0xa8: {  	s4 =	sshll.u32 s28, $0x1;
	[dreg:$0x2] =	wrdreg s2  }
0xa9: {  	[dreg:$0x3] =	wrdreg s4  }
0xaa: {  	[dreg:$0x4] =	wrdreg $0xC0  }
0xab: {  	_ =	task [dreg:s6], $0x5FFFF  }
0xac: {  	[dreg:$0x1] =	wrdreg $0xFFFFFFFF  }
0xad: {  	[dreg:$0x0] =	wrdreg $0x60  }
0xae: {  	[dreg:$0x2] =	wrdreg s24  }
0xaf: {  	[dreg:$0x3] =	wrdreg $0x9  }
0xb0: {  	_ =	task.clear_ibuf [dreg:s6], $0x4FFFF;
	_ =	strace $0x9000004F  }
0xb1: {  	s29 =	simm.s32 $0x9;
	_ =	strace $0x80000051  }
0xb2: {  	_ =	swait.ge [sflag:s29], $0x1  }
0xb3: {  	[sflag:s29] =	ssyncadd.s32 $0xFFFFFFFF  }
0xb4: {  	_ =	strace $0x90000051  }
0xb5: {  	_ =	sfence  }
0xb6: {  	s30 =	sld [smem:$0x0];
	_ =	sdelay $0x2  }
0xb7: {  	s31 =	sshll.u32 s1, $0xD;
	s1 =	sshrl.u32 s1, $0x2  }
0xb8: {  	s3 =	sand.u32 $0x4000, s31;
	s1 =	sadd.s32 s1, s30  }
0xb9: {  	s0 =	sor.u32 s3, s0;
	s1 =	sshll.u32 s1, $0x11  }
0xba: {  	s0 =	sor.u32 s1, s0  }
0xbb: {  	s0 =	sadd.s32 $0x8F2B, s0  }
0xbc: {  	[sflag:s0] =	ssyncadd.remote.s32 $0x1  }
0xbd: {  	_ =	sfence.sel $0xFFFF  }
0xbe: {  	[dreg:$0x0] =	wrdreg $0xFFFFFFFF;
	(pc) =	sbr.abs _section_cstart, $3  }
0xbf: {  	[dreg:$0x1] =	wrdreg $0xFFFFFFFF  }
0xc0: {  	_ =	task.clear_ibuf [dreg:s6], $0x2FFFF;
	_ =	strace $0x9FFFFFFF  }
0xc1: {  	(tm) =	ssettm $0x7FFFFFFF  }
tec
execute0_lowered:
.L_overlay_start_1:
0x0: {  	(tag) =	ssettag $0x1  }
0x1: {  	s2 =	rddreg [dreg:$0x0]  }
0x2: {  	s0 =	rddreg [dreg:$0x1]  }
0x3: {  	s1 =	srdreg.scid;
	_ =	strace $0x80000050;
	s4 =	simm.s32 $0x1  }
0x4: {  	s9 =	simm.s32 $0x3;
	s11 =	simm.s32 $0x0;
	s5 =	sshll.u32 s1, $0x4  }
.Ltmp0:
0x5: {  	s1 =	stileid.u32;
	s5 =	sand.u32 $0x10, s5;
	(pc) =	sbr.rel .LBB2_1-.Ltmp0, $4  }
0x6: {  	p0 =	por $0x0, $0x0;
	s3 =	sadd.s32 $0x200200, s2;
	s6 =	sor.u32 s1, s5  }
0x7: {  	[sflag:s4] =	ssyncpa.u1 $0x0;
	s5 =	simm.s32 $0x2;
	s6 =	sshll.u32 s6, $0x7  }
0x8: {  	s7 =	sadd.s32 $0x200, s2;
	[sflag:s5] =	ssyncpa.u1 $0x0;
	s8 =	sadd.s32 $0x80, s6  }
0x9: {  	vm0 =	vmmov $0xffff;
	[sflag:s9] =	ssyncpa.u1 $0x0;
	s10 =	smov.u32 s6;
	s9 =	simm.s32 $0x0  }
.LBB2_7:
0xa: {  	p1 =	slt.u32 s9, $0x2;
	s11 =	sadd.s32 $0x40, s10  }
0xb: {  	s13 =	smov.u32 s6;
	s9 =	sadd.s32 $0x1, s9;
	p2 =	slt.s32 s11, s8  }
0xc: {  	s13 =	smov.u32 @p2 s11;
	p2 =	sne.s32 s9, $0x4  }
.Ltmp1:
0xd: {  	_ = 	snop;
	(pc) =	sbr.rel @!p2 .LBB2_8-.Ltmp1, $4  }
0xe: {  	s12 =	simm.s32 @!p1 $0x3  }
0xf: {  	_ =	swait.ge @!p1 [sflag:s12], $0x8000  }
0x10: {  	p0 =	por !p0, !p0;
	[sflag:s12] =	ssyncset.done @!p1 $0x0  }
0x11: {  	s11 =	smov.u32 s10;
	s10 =	smov.u32 s13;
	[sflag:s12] =	ssyncadd.s32 @!p1 $0xFFFF8000  }
.LBB2_1:
0x12: {  	p1 =	sgt.u32 s9, $0x1  }
0x13: {  	s12 =	sshll.u32 @!p1 s9, $0x6;
	s13 =	sshrl.u32 @!p1 s10, $0x3  }
0x14: {  	s14 =	sand.u32 @!p1 $0x7, s10;
	s12 =	sxor.u32 @!p1 $0x40, s12;
	s13 =	sadd.s32 @!p1 s2, s13  }
0x15: {  	[tilespmem:s12], [sflag:$0x2] =	stream.linear.gather @!p1 [hbm4b:s13+s14], $0x40, $0x38;
	[tilespmem:$0x10080] =	vst v63  }
0x16: {  	p1 =	seq.s32 s9, $0x0  }
0x17: {  	p2 =	seq.s32 @!p1 s9, $0x3  }
0x18: {  	p1 =	por p1, p2  }
.Ltmp2:
0x19: {  	_ = 	snop;
	(pc) =	sbr.rel @p1 .LBB2_7-.Ltmp2, $1  }
0x1a: {  	_ =	sdelay $0x3  }
0x1b: {  	s12 =	simm.s32 $0x1  }
0x1c: {  	_ =	swait.ge [sflag:s5], $0x40;
	s12 =	simm.s32 @!p0 $0x0  }
0x1d: {  	[sflag:s5] =	ssyncset.done $0x0;
	s13 =	sshll.u32 s12, $0x6  }
0x1e: {  	[sflag:s5] =	ssyncadd.s32 $0xFFFFFFC0;
	s14 =	sadd.s32 $0x0, s13  }
0x1f: {  	v0 =	vld.msk [tilespmem:s14+$0x0 ss:$0x1], $0xffff;
	_ =	sdelay $0x4  }
0x20: {  	vm1 =	vgt.s32 v0, $0x0  }
0x21: {  	v0 =	vnsel vm1, $0x0, v0  }
0x22: {  	v0 =	vmin.u32 v0, $0xFFF  }
0x23: {  	v0 =	vshll.u32 v0, $0x6;
	_ =	sdelay $0x2  }
0x24: {  	s12 =	sshll.u32 s12, $0xF  }
0x25: {  	s12 =	sor.u32 $0x80, s12;
	s31 =	sadd.s32 $0x10, s13  }
0x26: {  	[tilespmem:s12], [sflag:$0x1] =	stream.indirect_vreg.gather [hbm:s3], $0x200, v0, vm0, $0x38;
	[tilespmem:$0x10080] =	vst v63  }
0x27: {  	s15 =	simm.s32 $0x80;
	s14 =	smov.u32 s12;
	v0 =	vld.msk [tilespmem:s31+$0x0 ss:$0x1], $0xffff  }
.LBB2_3:
0x28: {  	p1 =	sne.s32 s15, $0xC0;
	_ =	sdelay $0x4  }
0x29: {  	vm1 =	vgt.s32 v0, $0x0  }
0x2a: {  	v0 =	vnsel vm1, $0x0, v0  }
0x2b: {  	v0 =	vmin.u32 v0, $0xFFF  }
0x2c: {  	v0 =	vshll.u32 v0, $0x6;
	_ =	sdelay $0x1  }
.Ltmp3:
0x2d: {  	(pc) =	sbr.rel @p1 .LBB2_3-.Ltmp3, $4  }
0x2e: {  	s16 =	sshra.s32 s15, $0x2  }
0x2f: {  	s14 =	sadd.s32 $0x2000, s14;
	s16 =	sadd.s32 s16, s13  }
0x30: {  	[tilespmem:s14], [sflag:$0x1] =	stream.indirect_vreg.gather [hbm:s3], $0x200, v0, vm0, $0x38;
	[tilespmem:$0x10080] =	vst v63  }
0x31: {  	s15 =	sadd.s32 $0x40, s15;
	v0 =	vld.msk [tilespmem:s16+$0x0 ss:$0x1], $0xffff  }
0x32: {  	_ =	sdelay $0x3  }
0x33: {  	vm1 =	vgt.s32 v0, $0x0  }
0x34: {  	v0 =	vnsel vm1, $0x0, v0  }
0x35: {  	v0 =	vmin.u32 v0, $0xFFF  }
0x36: {  	v0 =	vshll.u32 v0, $0x6;
	_ =	sdelay $0x3  }
0x37: {  	s13 =	sadd.s32 $0x2000, s14  }
0x38: {  	[tilespmem:s13], [sflag:$0x1] =	stream.indirect_vreg.gather [hbm:s3], $0x200, v0, vm0, $0x38;
	[tilespmem:$0x10080] =	vst v63  }
0x39: {  	s11 =	sshll.u32 s11, $0x6;
	_ =	swait.ge [sflag:s4], $0x8000  }
0x3a: {  	s14 =	sadd.s32 $0x200, s12;
	s11 =	sadd.s32 s11, s7;
	[sflag:s4] =	ssyncset.done $0x0  }
0x3b: {  	s15 =	sadd.s32 $0x0, s11;
	s13 =	simm.s32 $0x40;
	[sflag:s4] =	ssyncadd.s32 $0xFFFF8000  }
.LBB2_5:
0x3c: {  	[hbm:s15] =	stream.linear.scatter [tilespmem:s12], [sflag:$0x3], $0x200, $0x38;
	[tilespmem:$0x10080] =	vst v63  }
0x3d: {  	s15 =	smov.u32 s13;
	s12 =	smov.u32 s14;
	p1 =	sne.s32 s13, $0xFC0  }
.Ltmp4:
0x3e: {  	s13 =	sadd.s32 $0x40, s13;
	(pc) =	sbr.rel @p1 .LBB2_5-.Ltmp4, $2  }
0x3f: {  	_ =	sdelay $0x2  }
0x40: {  	s14 =	sadd.s32 $0x200, s14;
	s15 =	sadd.s32 s15, s11  }
.Ltmp5:
0x41: {  	(pc) =	sbr.rel .LBB2_7-.Ltmp5, $2  }
0x42: {  	_ =	sdelay $0x2  }
0x43: {  	[hbm:s15] =	stream.linear.scatter [tilespmem:s12], [sflag:$0x3], $0x200, $0x38;
	[tilespmem:$0x10080] =	vst v63  }
.LBB2_8:
0x44: {  	_ =	sfence.sel $0x180000  }
0x45: {  	s2 =	simm.s32 $0x2;
	[bflag:$0x0] =	sbarrier.arrive $0xFFFF  }
0x46: {  	s30 =	simm.s32 $0x3;
	[sflag:s2] =	ssyncpa.u1 $0x1  }
0x47: {  	s31 =	simm.s32 $0x1;
	[sflag:s30] =	ssyncpa.u1 $0x1  }
0x48: {  	[sflag:s31] =	ssyncpa.u1 $0x1  }
0x49: {  	p0 =	sne.s32 s1, $0x0;
	_ =	strace $0x90000050  }
0x4a: {  	s0 =	sadd.s32 @!p0 $0x100000, s0;
	[bflag:$0x2] =	sbarrier.arrive $0xFFFF  }
0x4b: {  	[sflag:s0] =	ssyncadd.tile.s32 @!p0 $0x1;
	_ =	shalt  }
.Lfunc_end2:
_tile_overlayer_lowered:
.L_overlay_start_2:
0x4c: {  	(tag) =	ssettag $0x2  }
0x4d: {  	s0 =	rddreg [dreg:$0x0];
	s2 =	stileid.u32  }
0x4e: {  	s1 =	rddreg [dreg:$0x1];
	p0 =	sne.s32 s2, $0x0  }
0x4f: {  	s3 =	rddreg [dreg:$0x2];
	[bflag:$0x3] =	sbarrier.arrive $0xFFFF;
	s2 =	simm.s32 @!p0 $0x1C01  }
0x50: {  	[timem:s3], [sflag:s2] =	dma.local @!p0 [hbm:s0], s1  }
0x51: {  	s0 =	simm.s32 @!p0 $0x1  }
0x52: {  	_ =	swait.ge @!p0 [sflag:s0], s1  }
0x53: {  	s1 =	ssub.s32 @!p0 $0x0, s1;
	[sflag:s0] =	ssyncset.done @!p0 $0x0  }
0x54: {  	[sflag:s0] =	ssyncadd.s32 @!p0 s1  }
0x55: {  	[bflag:$0x3] =	sbarrier.arrive $0xFFFF  }
0x56: {  	_ =	shalt  }

// kernel: sparse-core-data-format-call.cloned.1.call-start
scs
called_computation_lowered:
.L_overlay_start_0:
0x0: {  	s2 =	sld [smem:$0x3FD9]  }
0x1: {  	s3 =	sld [smem:$0x3FFE];
	_ =	sdelay $0x1  }
0x2: {  	s1 =	srdreg.scid  }
0x3: {  	s0 =	sand.u32 $0x1, s1  }
0x4: {  	s18 =	sshll.u32 s0, $0xA;
	s2 =	sadd.s32 s3, s2  }
0x5: {  	s2 =	sadd.s32 s2, s18  }
0x6: {  	[smem:$0x3FC6] =	sst s2  }
0x7: {  	_ = 	snop  }
0x8: {  	(tm) =	ssettm $0x1  }
0x9: {  	s19 =	sld [smem:$0x3FFB];
	_ =	sdelay $0x3  }
0xa: {  	_ =	strace s19  }
0xb: {  	s2 =	sld [smem:$0x3FFC];
	_ =	sdelay $0x3  }
0xc: {  	_ =	strace s2  }
0xd: {  	s2 =	sld [smem:$0x3FFD];
	_ =	sdelay $0x3  }
0xe: {  	_ =	strace s2  }
0xf: {  	_ =	strace $0x8FFFFFFF  }
0x10: {  	s20 =	sld [smem:$0x3FDB];
	_ =	sdelay $0x1  }
0x11: {  	s21 =	simm.s32 $_scs_section_size  }
0x12: {  	s4 =	simm.s32 $_size__tile_overlayer_lowered;
	s5 =	simm.s32 $_tile_overlayer_lowered  }
0x13: {  	s6 =	simm.s32 $0x1BFF;
	s22 =	sshll.u32 s5, $0x1;
	s3 =	sadd.s32 s21, s20  }
0x14: {  	s23 =	simm.s32 $0x0;
	s4 =	sshll.u32 s4, $0x1;
	s5 =	sadd.s32 s22, s3  }
0x15: {  	[timem:s23], [sflag:s6] =	dma.local [hbm:s5], s4  }
0x16: {  	_ =	swait.ge [sflag:s6], s4  }
0x17: {  	s4 =	ssub.s32 $0x0, s4;
	[sflag:s6] =	ssyncset.done $0x0  }
0x18: {  	[sflag:s6] =	ssyncadd.s32 s4;
	_ =	sdelay $0x1  }
0x19: {  	s24 =	simm.s32 $0x1B8B  }
0x1a: {  	_ =	swait.ge [sflag:s24], $0x1  }
0x1b: {  	[sflag:s24] =	ssyncset.done $0x0  }
0x1c: {  	[sflag:s24] =	ssyncadd.s32 $0xFFFFFFFF  }
0x1d: {  	s4 =	sld [smem:$0x0]  }
0x1e: {  	s5 =	sand.u32 $0xFFFFFFFE, s1  }
0x1f: {  	p0 =	sne.s32 s1, s5  }
0x20: {  	s5 =	sshll.u32 @p0 s5, $0xE  }
0x21: {  	s5 =	sadd.s32 @p0 $0x11B8D, s5;
	s6 =	sshll.u32 @p0 s4, $0x11  }
0x22: {  	s5 =	sor.u32 @p0 s6, s5  }
0x23: {  	[sflag:s5] =	ssyncadd.remote.s32 @p0 $0x1;
	_ =	sdelay $0x1  }
0x24: {  	s5 =	simm.s32 @p0 $0x1B8D  }
0x25: {  	_ =	swait.eq @p0 [sflag:s5], $0x1  }
0x26: {  	[sflag:s5] =	ssyncadd.s32 @p0 $0xFFFFFFFF  }
0x27: {  	s6 =	sshll.u32 @!p0 s1, $0xE  }
0x28: {  	s6 =	sor.u32 @!p0 $0x4000, s6;
	s5 =	simm.s32 @!p0 $0x1B8D  }
0x29: {  	s4 =	sshll.u32 @!p0 s4, $0x11;
	s6 =	sadd.s32 @!p0 $0x11B8D, s6;
	_ =	swait.eq @!p0 [sflag:s5], $0x1  }
0x2a: {  	s4 =	sor.u32 @!p0 s4, s6;
	[sflag:s5] =	ssyncadd.s32 @!p0 $0xFFFFFFFF  }
0x2b: {  	s26 =	simm.s32 $0x1B8E;
	s25 =	sld [smem:$0x3FFE];
	[sflag:s4] =	ssyncadd.remote.s32 @!p0 $0x1  }
0x2c: {  	s27 =	simm.s32 $execute0_lowered;
	[smem:$0x3FD2] =	sst s26  }
0x2d: {  	s5 =	sshll.u32 s27, $0x1;
	_ =	strace $0x8000004C;
	[dreg:$0x1] =	wrdreg $0xFFFFFFFF  }
0x2e: {  	s28 =	simm.s32 $_size_execute0_lowered;
	s3 =	sadd.s32 s3, s5;
	[dreg:$0x0] =	wrdreg $0x0  }
0x2f: {  	s5 =	sshll.u32 s28, $0x1;
	[dreg:$0x2] =	wrdreg s3  }
0x30: {  	[dreg:$0x3] =	wrdreg s5  }
0x31: {  	[dreg:$0x4] =	wrdreg $0xC0  }
0x32: {  	_ =	task [dreg:s23], $0x5FFFF  }
0x33: {  	[dreg:$0x1] =	wrdreg $0xFFFFFFFF  }
0x34: {  	[dreg:$0x0] =	wrdreg $0x60  }
0x35: {  	[dreg:$0x2] =	wrdreg s25  }
0x36: {  	[dreg:$0x3] =	wrdreg $0x9  }
0x37: {  	_ =	task.clear_ibuf [dreg:s23], $0x4FFFF;
	_ =	strace $0x9000004C  }
0x38: {  	s29 =	simm.s32 $0x9;
	_ =	strace $0x8000004E  }
0x39: {  	_ =	swait.ge [sflag:s29], $0x1  }
0x3a: {  	[sflag:s29] =	ssyncadd.s32 $0xFFFFFFFF  }
0x3b: {  	_ =	strace $0x9000004E  }
0x3c: {  	_ =	sfence  }
0x3d: {  	s30 =	sld [smem:$0x0];
	_ =	sdelay $0x2  }
0x3e: {  	s31 =	sshll.u32 s1, $0xD;
	s1 =	sshrl.u32 s1, $0x2  }
0x3f: {  	s4 =	sand.u32 $0x4000, s31;
	s1 =	sadd.s32 s1, s30  }
0x40: {  	s0 =	sor.u32 s4, s0;
	s1 =	sshll.u32 s1, $0x11  }
0x41: {  	s0 =	sor.u32 s1, s0  }
0x42: {  	s0 =	sadd.s32 $0x8F2B, s0  }
0x43: {  	[sflag:s0] =	ssyncadd.remote.s32 $0x1  }
0x44: {  	_ =	sfence.sel $0xFFFF  }
0x45: {  	[dreg:$0x0] =	wrdreg $0xFFFFFFFF;
	(pc) =	sbr.abs _section_cstart, $3  }
0x46: {  	[dreg:$0x1] =	wrdreg $0xFFFFFFFF  }
0x47: {  	_ =	task.clear_ibuf [dreg:s23], $0x2FFFF;
	_ =	strace $0x9FFFFFFF  }
0x48: {  	(tm) =	ssettm $0x7FFFFFFF  }
0x49: {  	_ =	shalt  }
tec
execute0_lowered:
.L_overlay_start_1:
0x0: {  	(tag) =	ssettag $0x1  }
0x1: {  	s0 =	stileid.u32;
	s1 =	srdreg.scid  }
0x2: {  	s4 =	rddreg [dreg:$0x0];
	s7 =	simm.s32 $0x1;
	s31 =	simm.s32 $0x2  }
0x3: {  	s16 =	simm.s32 $0x0;
	s2 =	sshll.u32 s0, $0x4;
	s1 =	sshll.u32 s1, $0x8  }
0x4: {  	s9 =	simm.s32 $0x1000;
	s14 =	simm.s32 $0x0;
	s1 =	sor.u32 s2, s1  }
0x5: {  	s15 =	simm.s32 $0x0;
	s10 =	simm.s32 $0x0;
	s2 =	sand.u32 $0x180, s1  }
0x6: {  	s13 =	simm.s32 $0x0;
	s3 =	sadd.s32 $0x30200, s4;
	s5 =	ssub.s32 $0x200, s2  }
0x7: {  	s4 =	sadd.s32 $0x430200, s4;
	s1 =	rddreg [dreg:$0x1];
	s6 =	sand.u32 $0x180, s5  }
.Ltmp0:
0x8: {  	_ =	strace $0x8000004D;
	p0 =	sne.s32 s6, $0x0;
	(pc) =	sbr.rel .LBB1_1-.Ltmp0, $4  }
0x9: {  	s11 =	smov.u32 s2;
	s8 =	sshrl.u32 s5, $0x9;
	s7 =	simm.s32 @!p0 $0x0  }
0xa: {  	s5 =	sand.u32 $0x7, s0;
	s6 =	simm.s32 $0x1;
	s7 =	sadd.s32 s7, s8  }
0xb: {  	s12 =	smov.u32 s5;
	[sflag:s6] =	ssyncpa.u1 $0x0;
	s7 =	sshll.u32 s7, $0x6  }
0xc: {  	p0 =	por $0x0, $0x0;
	[sflag:s31] =	ssyncpa.u1 $0x0;
	s8 =	sor.u32 $0x1, s7  }
.LBB1_4:
0xd: {  	v5 =	vld [tilespmem:s19+$0xFFFFFFD0]  }
0xe: {  	[tilespmem:s20+$0x2040 ss:$0x81] =	vst.msk $0xffff, v1;
	v58 =	vld [tilespmem:s19+$0xFFFFFFE0]  }
0xf: {  	[tilespmem:s20+$0x2850 ss:$0x81] =	vst.msk $0xffff, v2;
	v59 =	vld [tilespmem:s19+$0xFFFFFFF0]  }
0x10: {  	s21 =	sshra.s32 s21, $0x2;
	[tilespmem:s20+$0x3060 ss:$0x81] =	vst.msk $0xffff, v3;
	v60 =	vld [tilespmem:s19+$0x0]  }
0x11: {  	[tilespmem:s20+$0x0 ss:$0x81] =	vst.msk $0xffff, v0;
	v61 =	vld [tilespmem:s19+$0x10];
	s18 =	sadd.s32 s21, s18  }
0x12: {  	s25 =	sshll.u32 s16, $0x9;
	v62 =	vld [tilespmem:s19+$0x20];
	[tilespmem:s18+$0x3870 ss:$0x81] =	vst.msk $0xffff, v4  }
0x13: {  	s26 =	sshll.u32 s14, $0x3;
	s27 =	sshll.u32 s16, $0x7;
	v63 =	vld [tilespmem:s19+$0xFFFFFFC0];
	s30 =	sand.u32 $0x78, s14;
	[tilespmem:s18+$0x810 ss:$0x81] =	vst.msk $0xffff, v5  }
0x14: {  	s15 =	sshll.u32 s15, $0x13;
	s20 =	sand.u32 $0x3FF000, s25;
	s21 =	sand.u32 $0x3FFC00, s26;
	[tilespmem:s18+$0x1020 ss:$0x81] =	vst.msk $0xffff, v58  }
0x15: {  	s29 =	sand.u32 $0x200, s27;
	s16 =	sand.u32 $0x180, s27;
	s28 =	sadd.s32 s21, s20;
	[tilespmem:s18+$0x1830 ss:$0x81] =	vst.msk $0xffff, v59  }
0x16: {  	s31 =	sand.u32 $0x7, s14;
	s16 =	sor.u32 s30, s16;
	s19 =	sor.u32 s29, s28;
	[tilespmem:s18+$0x2040 ss:$0x81] =	vst.msk $0xffff, v60  }
0x17: {  	s15 =	sadd.s32 s4, s15;
	s16 =	sshrl.u32 s16, $0x3;
	s19 =	sshrl.u32 s19, $0x3;
	[tilespmem:s18+$0x2850 ss:$0x81] =	vst.msk $0xffff, v61  }
0x18: {  	s14 =	sshll.u32 s31, $0x12;
	s15 =	sadd.s32 s16, s15;
	[tilespmem:s18+$0x3060 ss:$0x81] =	vst.msk $0xffff, v62;
	s19 =	sand.u32 $0x7FFC0, s19  }
0x19: {  	s14 =	sor.u32 $0x400, s14;
	[tilespmem:s18+$0x0 ss:$0x81] =	vst.msk $0xffff, v63;
	s15 =	sadd.s32 s19, s15  }
0x1a: {  	[hbm4b:s15+s14] =	stream.strided.scatter [tilespmem:s17], [sflag:$0x2], $0x4000, s9, s14, $0x20;
	[tilespmem:$0x10100] =	vst v63  }
.LBB1_5:
0x1b: {  	s17 =	sadd.s32 $0x80, s10  }
0x1c: {  	s14 =	sadd.s32 $0x200, s11;
	s18 =	smov.u32 s11;
	p2 =	sgt.s32 s17, $0x1FFF  }
0x1d: {  	s18 =	smov.u32 @p2 s14  }
0x1e: {  	s20 =	smov.u32 s12;
	s14 =	sadd.s32 $0x8, s12;
	p3 =	sgt.s32 s18, $0x1FF  }
0x1f: {  	s20 =	smov.u32 @p3 s14  }
0x20: {  	s17 =	simm.s32 @p2 $0x0;
	p2 =	sgt.s32 s20, $0x7  }
0x21: {  	p1 =	slt.u32 s13, $0x2;
	s20 =	smov.u32 @p2 s5;
	p2 =	sne.s32 s13, s8  }
.Ltmp1:
0x22: {  	s19 =	simm.s32 @!p1 $0x2;
	(pc) =	sbr.rel @!p2 .LBB1_6-.Ltmp1, $4  }
0x23: {  	s16 =	smov.u32 s10;
	s15 =	smov.u32 s12;
	_ =	swait.ge @!p1 [sflag:s19], $0x4000  }
0x24: {  	p0 =	por !p0, !p0;
	[sflag:s19] =	ssyncset.done @!p1 $0x0;
	s10 =	smov.u32 s17  }
0x25: {  	s18 =	smov.u32 @p3 s2;
	s14 =	smov.u32 s11;
	[sflag:s19] =	ssyncadd.s32 @!p1 $0xFFFFC000  }
0x26: {  	s11 =	smov.u32 s18;
	s13 =	sadd.s32 $0x1, s13;
	s12 =	smov.u32 s20  }
.LBB1_1:
0x27: {  	p1 =	sge.u32 s13, s7;
	s31 =	sadd.s32 $0xFFFFFFFF, s13  }
0x28: {  	s17 =	sxor.u32 @!p1 $0xFFFFFFFF, s13;
	s18 =	sand.u32 @!p1 $0x78, s10;
	s19 =	sshll.u32 @!p1 s11, $0xD  }
0x29: {  	s20 =	sshll.u32 @!p1 s11, $0x7;
	s21 =	sshll.u32 @!p1 s10, $0x3;
	s17 =	sshll.u32 @!p1 s17, $0xE  }
0x2a: {  	s19 =	sand.u32 @!p1 $0x3F0000, s19;
	s20 =	sand.u32 @!p1 $0x380, s20;
	s17 =	sand.u32 @!p1 $0x4000, s17  }
0x2b: {  	s19 =	sadd.s32 @!p1 s19, s21;
	s21 =	sand.u32 @!p1 $0x1C00, s21;
	s18 =	sor.u32 @!p1 s20, s18  }
0x2c: {  	s20 =	sshll.u32 @!p1 s12, $0x13;
	s18 =	sor.u32 @!p1 s21, s18;
	s19 =	sshrl.u32 @!p1 s19, $0x3  }
0x2d: {  	s20 =	sadd.s32 @!p1 s3, s20;
	s21 =	sand.u32 @!p1 $0x7, s10;
	s19 =	sand.u32 @!p1 $0x7FC00, s19  }
0x2e: {  	s18 =	sshrl.u32 @!p1 s18, $0x3;
	s19 =	sadd.s32 @!p1 s19, s20;
	s20 =	sshll.u32 @!p1 s21, $0x12  }
0x2f: {  	s18 =	sadd.s32 @!p1 s18, s19;
	s19 =	sor.u32 @!p1 $0x400, s20;
	s20 =	simm.s32 @!p1 $0x10000  }
0x30: {  	[tilespmem:s17], [sflag:$0x1] =	stream.strided.gather @!p1 [hbm4b:s18+s19], $0x4000, s20, s19, $0x38;
	[tilespmem:$0x10100] =	vst v63  }
0x31: {  	p1 =	sge.u32 s31, s7  }
.Ltmp2:
0x32: {  	_ = 	snop;
	(pc) =	sbr.rel @p1 .LBB1_5-.Ltmp2, $1  }
0x33: {  	_ =	sdelay $0x3  }
0x34: {  	s17 =	simm.s32 $0x1  }
0x35: {  	_ =	swait.ge [sflag:s6], $0x4000;
	s17 =	simm.s32 @!p0 $0x0  }
0x36: {  	[sflag:s6] =	ssyncset.done $0x0;
	s18 =	sshll.u32 s17, $0xE  }
0x37: {  	[sflag:s6] =	ssyncadd.s32 $0xFFFFC000;
	s19 =	sor.u32 $0x40, s18  }
0x38: {  	s17 =	smul.u32 $0x10200, s17;
	v0 =	vld [tilespmem:s19+$0x30]  }
0x39: {  	v3 =	vld [tilespmem:s19+$0xFFFFFFD0]  }
0x3a: {  	s17 =	sshrl.u32 s17, $0x2;
	v4 =	vld [tilespmem:s19+$0xFFFFFFE0]  }
0x3b: {  	v5 =	vld [tilespmem:s19+$0xFFFFFFF0];
	s18 =	sor.u32 $0x8000, s17  }
0x3c: {  	s31 =	sand.u32 $0x1, s13;
	v1 =	vld [tilespmem:s19+$0x0];
	s20 =	sadd.s32 $0x0, s18  }
0x3d: {  	v2 =	vld [tilespmem:s19+$0x10];
	s17 =	smul.u32 $0x10200, s31;
	[tilespmem:s20+$0x3870 ss:$0x81] =	vst.msk $0xffff, v0  }
0x3e: {  	[tilespmem:s20+$0x810 ss:$0x81] =	vst.msk $0xffff, v3;
	v3 =	vld [tilespmem:s19+$0x20]  }
0x3f: {  	s17 =	sshrl.u32 s17, $0x2;
	v0 =	vld [tilespmem:s19+$0xFFFFFFC0];
	[tilespmem:s20+$0x1020 ss:$0x81] =	vst.msk $0xffff, v4;
	s19 =	sadd.s32 $0x80, s19  }
0x40: {  	s21 =	simm.s32 $0x4;
	s22 =	simm.s32 $0x8;
	s17 =	sor.u32 $0x8000, s17;
	[tilespmem:s20+$0x1830 ss:$0x81] =	vst.msk $0xffff, v5;
	v4 =	vld [tilespmem:s19+$0x30]  }
.LBB1_3:
0x41: {  	p1 =	sne.s32 s22, $0x1FC;
	v5 =	vld [tilespmem:s19+$0xFFFFFFD0];
	[tilespmem:s20+$0x2040 ss:$0x81] =	vst.msk $0xffff, v1  }
0x42: {  	v6 =	vld [tilespmem:s19+$0xFFFFFFE0];
	[tilespmem:s20+$0x2850 ss:$0x81] =	vst.msk $0xffff, v2  }
0x43: {  	s23 =	sshra.s32 s21, $0x2;
	s21 =	smov.u32 s22;
	v7 =	vld [tilespmem:s19+$0xFFFFFFF0];
	[tilespmem:s20+$0x3060 ss:$0x81] =	vst.msk $0xffff, v3  }
.Ltmp3:
0x44: {  	v1 =	vld [tilespmem:s19+$0x0];
	[tilespmem:s20+$0x0 ss:$0x81] =	vst.msk $0xffff, v0;
	s20 =	sadd.s32 s23, s18;
	(pc) =	sbr.rel @p1 .LBB1_3-.Ltmp3, $4  }
0x45: {  	v2 =	vld [tilespmem:s19+$0x10];
	[tilespmem:s20+$0x3870 ss:$0x81] =	vst.msk $0xffff, v4  }
0x46: {  	[tilespmem:s20+$0x810 ss:$0x81] =	vst.msk $0xffff, v5;
	v3 =	vld [tilespmem:s19+$0x20]  }
0x47: {  	v0 =	vld [tilespmem:s19+$0xFFFFFFC0];
	[tilespmem:s20+$0x1020 ss:$0x81] =	vst.msk $0xffff, v6;
	s19 =	sadd.s32 $0x80, s19  }
0x48: {  	s22 =	sadd.s32 $0x4, s22;
	v4 =	vld [tilespmem:s19+$0x30];
	[tilespmem:s20+$0x1830 ss:$0x81] =	vst.msk $0xffff, v7  }
.Ltmp4:
0x49: {  	_ = 	snop;
	(pc) =	sbr.rel .LBB1_4-.Ltmp4, $1  }
0x4a: {  	_ =	sdelay $0x3  }
.LBB1_6:
0x4b: {  	_ =	sfence.sel $0x180000  }
0x4c: {  	s2 =	simm.s32 $0x1;
	[bflag:$0x0] =	sbarrier.arrive $0xFFFF  }
0x4d: {  	s31 =	simm.s32 $0x2;
	[sflag:s2] =	ssyncpa.u1 $0x1  }
0x4e: {  	[sflag:s31] =	ssyncpa.u1 $0x1  }
0x4f: {  	p0 =	sne.s32 s0, $0x0;
	_ =	strace $0x9000004D  }
0x50: {  	s0 =	sadd.s32 @!p0 $0x100000, s1;
	[bflag:$0x2] =	sbarrier.arrive $0xFFFF  }
0x51: {  	[sflag:s0] =	ssyncadd.tile.s32 @!p0 $0x1;
	_ =	shalt  }
.Lfunc_end1:
_tile_overlayer_lowered:
.L_overlay_start_2:
0x52: {  	(tag) =	ssettag $0x2  }
0x53: {  	s0 =	rddreg [dreg:$0x0];
	s2 =	stileid.u32  }
0x54: {  	s1 =	rddreg [dreg:$0x1];
	p0 =	sne.s32 s2, $0x0  }
0x55: {  	s3 =	rddreg [dreg:$0x2];
	[bflag:$0x3] =	sbarrier.arrive $0xFFFF;
	s2 =	simm.s32 @!p0 $0x1C01  }
0x56: {  	[timem:s3], [sflag:s2] =	dma.local @!p0 [hbm:s0], s1  }
0x57: {  	s0 =	simm.s32 @!p0 $0x1  }
0x58: {  	_ =	swait.ge @!p0 [sflag:s0], s1  }
0x59: {  	s1 =	ssub.s32 @!p0 $0x0, s1;
	[sflag:s0] =	ssyncset.done @!p0 $0x0  }
0x5a: {  	[sflag:s0] =	ssyncadd.s32 @!p0 s1  }
0x5b: {  	[bflag:$0x3] =	sbarrier.arrive $0xFFFF  }
0x5c: {  	_ =	shalt  }

</sc_bundles>
